<compile_context>
chip_gen: v7x
topology: tpu7x:2x2x1
jax: 0.10.2.dev20260603
libtpu: 0.0.44.dev20260713+nightly
codegen_flags: <defaults>
</compile_context>

<pallas_src>
import functools

import jax
import jax.numpy as jnp
from jax import lax
from jax.experimental import pallas as pl
from jax.experimental.pallas import tpu as pltpu
from jax.experimental.pallas import tpu_sc as plsc

_N_NODES = 100000
_D = 256
_B = 16384

_NC = 2
_NS = 16
_NW = _NC * _NS
_BPW = _B // _NW
_C = 128
_NCH = _BPW // _C
_NBUF = 3

_mesh = plsc.VectorSubcoreMesh(core_axis_name="c", subcore_axis_name="s")


@functools.partial(
    pl.kernel,
    mesh=_mesh,
    out_type=jax.ShapeDtypeStruct((_B, _D), jnp.float32),
    scratch_types=[
        pltpu.VMEM((_BPW,), jnp.int32),
        pltpu.VMEM((_NBUF, _C, _D), jnp.float32),
        pltpu.SemaphoreType.DMA,
        pltpu.SemaphoreType.DMA,
        pltpu.SemaphoreType.DMA,
    ],
)
def _sc_gather(table_hbm, idx_hbm, out_hbm, idx_v, rows_v, isem, gsem, ssem):
    wid = lax.axis_index("s") * _NC + lax.axis_index("c")
    base = wid * _BPW
    i0 = pltpu.async_copy(
        idx_hbm.at[pl.ds(base, _C)], idx_v.at[pl.ds(0, _C)], isem)
    i1 = pltpu.async_copy(
        idx_hbm.at[pl.ds(base + _C, _BPW - _C)],
        idx_v.at[pl.ds(_C, _BPW - _C)], isem)

    gathers = [None] * _NCH
    scatters = [None] * _NCH

    def start_gather(ch):
        return pltpu.async_copy(
            table_hbm.at[idx_v.at[pl.ds(ch * _C, _C)]],
            rows_v.at[ch % _NBUF],
            gsem,
        )

    i0.wait()
    gathers[0] = start_gather(0)
    i1.wait()
    for ch in range(1, min(_NBUF - 1, _NCH)):
        gathers[ch] = start_gather(ch)
    for ch in range(_NCH):
        nxt = ch + _NBUF - 1
        if nxt < _NCH:
            if ch > 0:
                scatters[ch - 1].wait()
            gathers[nxt] = start_gather(nxt)
        gathers[ch].wait()
        scatters[ch] = pltpu.async_copy(
            rows_v.at[ch % _NBUF],
            out_hbm.at[pl.ds(base + ch * _C, _C)],
            ssem,
        )
    for ch in range(max(0, _NCH - _NBUF), _NCH):
        scatters[ch].wait()


def kernel(node_states, readout_indices):
    return _sc_gather(node_states, readout_indices)

# --- scband reference (transcript-rebuilt; emitter-appended) ---
"""Pipeline reference for scband-structured-readout-47287589929655 (READ-ONLY COPY).

The authoritative reference and input builder live on the scoring server;
editing this copy changes nothing except your own understanding.
"""

import jax, jax.numpy as jnp
import numpy as np

N_NODES = 100000
D_FEAT = 256
N_SEEDS = 16384

def setup_inputs(seed: int = 0) -> dict:
    key = jax.random.key(seed)
    k1, k2 = jax.random.split(key)
    node_states = jax.random.normal(k1, (N_NODES, D_FEAT), dtype=jnp.float32)
    readout_indices = jax.random.randint(k2, (N_SEEDS,), 0, N_NODES, dtype=jnp.int64 if jax.config.jax_enable_x64 else jnp.int32).astype(jnp.int32)
    return {"node_states": node_states, "readout_indices": readout_indices}

def reference(node_states, readout_indices):
    # StructuredReadout: the auxiliary '_readout' node set is connected to the
    # seed nodes of the source node set via '_readout/seed' edges. Reading out
    # the 'hidden_state' feature is a broadcast from source nodes over those
    # edges followed by identity pooling onto the readout node set, i.e. a
    # pure gather of the selected node states.
    return jnp.take(node_states, readout_indices, axis=0)

if __name__ == "__main__":
    import jax
    _d = setup_inputs()
    print(jax.jit(kernel)(*tuple(_d.values())))

</pallas_src>

<mosaic_0001>
#map = affine_map<(d0, d1) -> (0, 0)>
#map1 = affine_map<(d0, d1) -> (0)>
module attributes {stable_mosaic.version = 14 : i64} {
  func.func @_sc_gather(%arg0: i32, %arg1: i32, %arg2: memref<100000x256xf32, #tpu.memory_space<hbm>>, %arg3: memref<16384xi32, #tpu.memory_space<hbm>>, %arg4: memref<16384x256xf32, #tpu.memory_space<hbm>>, %arg5: memref<512xi32, #tpu.memory_space<vmem>>, %arg6: memref<3x128x256xf32, #tpu.memory_space<vmem>>, %arg7: memref<!tpu.dma_semaphore, #tpu.memory_space<semaphore_mem>>, %arg8: memref<!tpu.dma_semaphore, #tpu.memory_space<semaphore_mem>>, %arg9: memref<!tpu.dma_semaphore, #tpu.memory_space<semaphore_mem>>) attributes {dimension_semantics = [#tpu.dimension_semantics<core_parallel>, #tpu.dimension_semantics<subcore_parallel>], iteration_bounds = array<i64: 2, 16>, scalar_prefetch = 0 : i64, scratch_operands = 5 : i64, tpu.core_type = #tpu.core_type<sc_vector_subcore>, window_params = [{transform_indices = #map}, {transform_indices = #map1}, {transform_indices = #map}]} {
    %mul3A = arith.constant 2 : i32
    %mul3A_0 = arith.muli %arg1, %mul3A : i32
    %add3A = arith.addi %mul3A_0, %arg0 : i32
    %mul3A_1 = arith.constant 512 : i32
    %mul3A_2 = arith.muli %add3A, %mul3A_1 : i32
    %dma_start3A = arith.constant 0 : i32
    %dma_start3A_3 = tpu.memref_slice %arg5[%dma_start3A] : memref<512xi32, #tpu.memory_space<vmem>> -> memref<128xi32, #tpu.memory_space<vmem>>
    %dma_start3A_4 = tpu.memref_slice %arg3[%mul3A_2] : memref<16384xi32, #tpu.memory_space<hbm>> -> memref<128xi32, #tpu.memory_space<hbm>>
    %dma_start3A_5 = arith.constant 0 : i32
    %dma_start3A_6 = tpu.memref_slice %arg5[%dma_start3A_5] : memref<512xi32, #tpu.memory_space<vmem>> -> memref<128xi32, #tpu.memory_space<vmem>>
    %dma_start3A_7 = tpu.memref_slice %arg3[%mul3A_2] : memref<16384xi32, #tpu.memory_space<hbm>> -> memref<128xi32, #tpu.memory_space<hbm>>
    tpu.enqueue_dma source(%dma_start3A_7 : memref<128xi32, #tpu.memory_space<hbm>>) target(%dma_start3A_6 : memref<128xi32, #tpu.memory_space<vmem>>) target_semaphore(%arg7 : memref<!tpu.dma_semaphore, #tpu.memory_space<semaphore_mem>>)
    %add3A_8 = arith.constant 128 : i32
    %add3A_9 = arith.addi %mul3A_2, %add3A_8 : i32
    %dma_start3A_10 = arith.constant 128 : i32
    %dma_start3A_11 = tpu.memref_slice %arg5[%dma_start3A_10] : memref<512xi32, #tpu.memory_space<vmem>> -> memref<384xi32, #tpu.memory_space<vmem>>
    %dma_start3A_12 = tpu.memref_slice %arg3[%add3A_9] : memref<16384xi32, #tpu.memory_space<hbm>> -> memref<384xi32, #tpu.memory_space<hbm>>
    %dma_start3A_13 = arith.constant 128 : i32
    %dma_start3A_14 = tpu.memref_slice %arg5[%dma_start3A_13] : memref<512xi32, #tpu.memory_space<vmem>> -> memref<384xi32, #tpu.memory_space<vmem>>
    %dma_start3A_15 = tpu.memref_slice %arg3[%add3A_9] : memref<16384xi32, #tpu.memory_space<hbm>> -> memref<384xi32, #tpu.memory_space<hbm>>
    tpu.enqueue_dma source(%dma_start3A_15 : memref<384xi32, #tpu.memory_space<hbm>>) target(%dma_start3A_14 : memref<384xi32, #tpu.memory_space<vmem>>) target_semaphore(%arg7 : memref<!tpu.dma_semaphore, #tpu.memory_space<semaphore_mem>>)
    %dma_wait3A = arith.constant 0 : i32
    %dma_wait3A_16 = tpu.memref_slice %arg5[%dma_wait3A] : memref<512xi32, #tpu.memory_space<vmem>> -> memref<128xi32, #tpu.memory_space<vmem>>
    %dma_wait3A_17 = tpu.memref_slice %arg3[%mul3A_2] : memref<16384xi32, #tpu.memory_space<hbm>> -> memref<128xi32, #tpu.memory_space<hbm>>
    %dma_wait3A_18 = arith.constant 0 : i32
    %dma_wait3A_19 = tpu.memref_slice %arg5[%dma_wait3A_18] : memref<512xi32, #tpu.memory_space<vmem>> -> memref<128xi32, #tpu.memory_space<vmem>>
    %dma_wait3A_20 = tpu.memref_slice %arg3[%mul3A_2] : memref<16384xi32, #tpu.memory_space<hbm>> -> memref<128xi32, #tpu.memory_space<hbm>>
    tpu.wait_dma2 semaphore(%arg7 : memref<!tpu.dma_semaphore, #tpu.memory_space<semaphore_mem>>) src(%dma_wait3A_20 : memref<128xi32, #tpu.memory_space<hbm>>) dst(%dma_wait3A_19 : memref<128xi32, #tpu.memory_space<vmem>>)
    %dma_start3A_21 = arith.constant 0 : i32
    %dma_start3A_22 = arith.constant 0 : i32
    %dma_start3A_23 = arith.constant 0 : i32
    %dma_start3A_24 = tpu.memref_slice %arg6[%dma_start3A_21, %dma_start3A_22, %dma_start3A_23] : memref<3x128x256xf32, #tpu.memory_space<vmem>> -> memref<1x128x256xf32, #tpu.memory_space<vmem>>
    %dma_start3A_25 = tpu.memref_squeeze %dma_start3A_24 : memref<1x128x256xf32, #tpu.memory_space<vmem>> -> memref<128x256xf32, #tpu.memory_space<vmem>>
    %dma_start3A_26 = arith.constant 0 : i32
    %dma_start3A_27 = tpu.memref_slice %arg5[%dma_start3A_26] : memref<512xi32, #tpu.memory_space<vmem>> -> memref<128xi32, #tpu.memory_space<vmem>>
    %dma_start3A_28 = arith.constant 0 : i32
    %dma_start3A_29 = arith.constant 0 : i32
    %dma_start3A_30 = tpu.memref_slice %arg2[%dma_start3A_28, %dma_start3A_29] : memref<100000x256xf32, #tpu.memory_space<hbm>> -> memref<100000x256xf32, #tpu.memory_space<hbm>>
    tpu.enqueue_indirect_dma source(%dma_start3A_30 : memref<100000x256xf32, #tpu.memory_space<hbm>>) target(%dma_start3A_25 : memref<128x256xf32, #tpu.memory_space<vmem>>) offsets(%dma_start3A_27 : memref<128xi32, #tpu.memory_space<vmem>>) semaphore(%arg8 : memref<!tpu.dma_semaphore, #tpu.memory_space<semaphore_mem>>)
    %dma_wait3A_31 = arith.constant 128 : i32
    %dma_wait3A_32 = tpu.memref_slice %arg5[%dma_wait3A_31] : memref<512xi32, #tpu.memory_space<vmem>> -> memref<384xi32, #tpu.memory_space<vmem>>
    %dma_wait3A_33 = tpu.memref_slice %arg3[%add3A_9] : memref<16384xi32, #tpu.memory_space<hbm>> -> memref<384xi32, #tpu.memory_space<hbm>>
    %dma_wait3A_34 = arith.constant 128 : i32
    %dma_wait3A_35 = tpu.memref_slice %arg5[%dma_wait3A_34] : memref<512xi32, #tpu.memory_space<vmem>> -> memref<384xi32, #tpu.memory_space<vmem>>
    %dma_wait3A_36 = tpu.memref_slice %arg3[%add3A_9] : memref<16384xi32, #tpu.memory_space<hbm>> -> memref<384xi32, #tpu.memory_space<hbm>>
    tpu.wait_dma2 semaphore(%arg7 : memref<!tpu.dma_semaphore, #tpu.memory_space<semaphore_mem>>) src(%dma_wait3A_36 : memref<384xi32, #tpu.memory_space<hbm>>) dst(%dma_wait3A_35 : memref<384xi32, #tpu.memory_space<vmem>>)
    %dma_start3A_37 = arith.constant 1 : i32
    %dma_start3A_38 = arith.constant 0 : i32
    %dma_start3A_39 = arith.constant 0 : i32
    %dma_start3A_40 = tpu.memref_slice %arg6[%dma_start3A_37, %dma_start3A_38, %dma_start3A_39] : memref<3x128x256xf32, #tpu.memory_space<vmem>> -> memref<1x128x256xf32, #tpu.memory_space<vmem>>
    %dma_start3A_41 = tpu.memref_squeeze %dma_start3A_40 : memref<1x128x256xf32, #tpu.memory_space<vmem>> -> memref<128x256xf32, #tpu.memory_space<vmem>>
    %dma_start3A_42 = arith.constant 128 : i32
    %dma_start3A_43 = tpu.memref_slice %arg5[%dma_start3A_42] : memref<512xi32, #tpu.memory_space<vmem>> -> memref<128xi32, #tpu.memory_space<vmem>>
    %dma_start3A_44 = arith.constant 0 : i32
    %dma_start3A_45 = arith.constant 0 : i32
    %dma_start3A_46 = tpu.memref_slice %arg2[%dma_start3A_44, %dma_start3A_45] : memref<100000x256xf32, #tpu.memory_space<hbm>> -> memref<100000x256xf32, #tpu.memory_space<hbm>>
    tpu.enqueue_indirect_dma source(%dma_start3A_46 : memref<100000x256xf32, #tpu.memory_space<hbm>>) target(%dma_start3A_41 : memref<128x256xf32, #tpu.memory_space<vmem>>) offsets(%dma_start3A_43 : memref<128xi32, #tpu.memory_space<vmem>>) semaphore(%arg8 : memref<!tpu.dma_semaphore, #tpu.memory_space<semaphore_mem>>)
    %dma_start3A_47 = arith.constant 2 : i32
    %dma_start3A_48 = arith.constant 0 : i32
    %dma_start3A_49 = arith.constant 0 : i32
    %dma_start3A_50 = tpu.memref_slice %arg6[%dma_start3A_47, %dma_start3A_48, %dma_start3A_49] : memref<3x128x256xf32, #tpu.memory_space<vmem>> -> memref<1x128x256xf32, #tpu.memory_space<vmem>>
    %dma_start3A_51 = tpu.memref_squeeze %dma_start3A_50 : memref<1x128x256xf32, #tpu.memory_space<vmem>> -> memref<128x256xf32, #tpu.memory_space<vmem>>
    %dma_start3A_52 = arith.constant 256 : i32
    %dma_start3A_53 = tpu.memref_slice %arg5[%dma_start3A_52] : memref<512xi32, #tpu.memory_space<vmem>> -> memref<128xi32, #tpu.memory_space<vmem>>
    %dma_start3A_54 = arith.constant 0 : i32
    %dma_start3A_55 = arith.constant 0 : i32
    %dma_start3A_56 = tpu.memref_slice %arg2[%dma_start3A_54, %dma_start3A_55] : memref<100000x256xf32, #tpu.memory_space<hbm>> -> memref<100000x256xf32, #tpu.memory_space<hbm>>
    tpu.enqueue_indirect_dma source(%dma_start3A_56 : memref<100000x256xf32, #tpu.memory_space<hbm>>) target(%dma_start3A_51 : memref<128x256xf32, #tpu.memory_space<vmem>>) offsets(%dma_start3A_53 : memref<128xi32, #tpu.memory_space<vmem>>) semaphore(%arg8 : memref<!tpu.dma_semaphore, #tpu.memory_space<semaphore_mem>>)
    %dma_wait3A_57 = arith.constant 0 : i32
    %dma_wait3A_58 = arith.constant 0 : i32
    %dma_wait3A_59 = arith.constant 0 : i32
    %dma_wait3A_60 = tpu.memref_slice %arg6[%dma_wait3A_57, %dma_wait3A_58, %dma_wait3A_59] : memref<3x128x256xf32, #tpu.memory_space<vmem>> -> memref<1x128x256xf32, #tpu.memory_space<vmem>>
    %dma_wait3A_61 = tpu.memref_squeeze %dma_wait3A_60 : memref<1x128x256xf32, #tpu.memory_space<vmem>> -> memref<128x256xf32, #tpu.memory_space<vmem>>
    %dma_wait3A_62 = arith.constant 0 : i32
    %dma_wait3A_63 = tpu.memref_slice %arg5[%dma_wait3A_62] : memref<512xi32, #tpu.memory_space<vmem>> -> memref<128xi32, #tpu.memory_space<vmem>>
    %dma_wait3A_64 = arith.constant 0 : i32
    %dma_wait3A_65 = arith.constant 0 : i32
    %dma_wait3A_66 = tpu.memref_slice %arg2[%dma_wait3A_64, %dma_wait3A_65] : memref<100000x256xf32, #tpu.memory_space<hbm>> -> memref<100000x256xf32, #tpu.memory_space<hbm>>
    tpu.wait_indirect_dma semaphore(%arg8 : memref<!tpu.dma_semaphore, #tpu.memory_space<semaphore_mem>>) src(%dma_wait3A_66 : memref<100000x256xf32, #tpu.memory_space<hbm>>) dst(%dma_wait3A_61 : memref<128x256xf32, #tpu.memory_space<vmem>>)
    %add3A_67 = arith.constant 0 : i32
    %add3A_68 = arith.addi %mul3A_2, %add3A_67 : i32
    %dma_start3A_69 = arith.constant 0 : i32
    %dma_start3A_70 = arith.constant 0 : i32
    %dma_start3A_71 = arith.constant 0 : i32
    %dma_start3A_72 = tpu.memref_slice %arg6[%dma_start3A_69, %dma_start3A_70, %dma_start3A_71] : memref<3x128x256xf32, #tpu.memory_space<vmem>> -> memref<1x128x256xf32, #tpu.memory_space<vmem>>
    %dma_start3A_73 = tpu.memref_squeeze %dma_start3A_72 : memref<1x128x256xf32, #tpu.memory_space<vmem>> -> memref<128x256xf32, #tpu.memory_space<vmem>>
    %dma_start3A_74 = arith.constant 0 : i32
    %dma_start3A_75 = tpu.memref_slice %arg4[%add3A_68, %dma_start3A_74] : memref<16384x256xf32, #tpu.memory_space<hbm>> -> memref<128x256xf32, #tpu.memory_space<hbm>>
    %dma_start3A_76 = arith.constant 0 : i32
    %dma_start3A_77 = tpu.memref_slice %arg4[%add3A_68, %dma_start3A_76] : memref<16384x256xf32, #tpu.memory_space<hbm>> -> memref<128x256xf32, #tpu.memory_space<hbm>>
    %dma_start3A_78 = arith.constant 0 : i32
    %dma_start3A_79 = arith.constant 0 : i32
    %dma_start3A_80 = tpu.memref_slice %arg6[%dma_start3A_69, %dma_start3A_78, %dma_start3A_79] : memref<3x128x256xf32, #tpu.memory_space<vmem>> -> memref<1x128x256xf32, #tpu.memory_space<vmem>>
    %dma_start3A_81 = tpu.memref_squeeze %dma_start3A_80 : memref<1x128x256xf32, #tpu.memory_space<vmem>> -> memref<128x256xf32, #tpu.memory_space<vmem>>
    tpu.enqueue_dma source(%dma_start3A_81 : memref<128x256xf32, #tpu.memory_space<vmem>>) target(%dma_start3A_77 : memref<128x256xf32, #tpu.memory_space<hbm>>) target_semaphore(%arg9 : memref<!tpu.dma_semaphore, #tpu.memory_space<semaphore_mem>>)
    %dma_wait3A_82 = arith.constant 0 : i32
    %dma_wait3A_83 = arith.constant 0 : i32
    %dma_wait3A_84 = arith.constant 0 : i32
    %dma_wait3A_85 = tpu.memref_slice %arg6[%dma_wait3A_82, %dma_wait3A_83, %dma_wait3A_84] : memref<3x128x256xf32, #tpu.memory_space<vmem>> -> memref<1x128x256xf32, #tpu.memory_space<vmem>>
    %dma_wait3A_86 = tpu.memref_squeeze %dma_wait3A_85 : memref<1x128x256xf32, #tpu.memory_space<vmem>> -> memref<128x256xf32, #tpu.memory_space<vmem>>
    %dma_wait3A_87 = arith.constant 0 : i32
    %dma_wait3A_88 = tpu.memref_slice %arg4[%add3A_68, %dma_wait3A_87] : memref<16384x256xf32, #tpu.memory_space<hbm>> -> memref<128x256xf32, #tpu.memory_space<hbm>>
    %dma_wait3A_89 = arith.constant 0 : i32
    %dma_wait3A_90 = tpu.memref_slice %arg4[%add3A_68, %dma_wait3A_89] : memref<16384x256xf32, #tpu.memory_space<hbm>> -> memref<128x256xf32, #tpu.memory_space<hbm>>
    %dma_wait3A_91 = arith.constant 0 : i32
    %dma_wait3A_92 = arith.constant 0 : i32
    %dma_wait3A_93 = tpu.memref_slice %arg6[%dma_wait3A_82, %dma_wait3A_91, %dma_wait3A_92] : memref<3x128x256xf32, #tpu.memory_space<vmem>> -> memref<1x128x256xf32, #tpu.memory_space<vmem>>
    %dma_wait3A_94 = tpu.memref_squeeze %dma_wait3A_93 : memref<1x128x256xf32, #tpu.memory_space<vmem>> -> memref<128x256xf32, #tpu.memory_space<vmem>>
    tpu.wait_dma2 semaphore(%arg9 : memref<!tpu.dma_semaphore, #tpu.memory_space<semaphore_mem>>) src(%dma_wait3A_94 : memref<128x256xf32, #tpu.memory_space<vmem>>) dst(%dma_wait3A_90 : memref<128x256xf32, #tpu.memory_space<hbm>>)
    %dma_start3A_95 = arith.constant 0 : i32
    %dma_start3A_96 = arith.constant 0 : i32
    %dma_start3A_97 = arith.constant 0 : i32
    %dma_start3A_98 = tpu.memref_slice %arg6[%dma_start3A_95, %dma_start3A_96, %dma_start3A_97] : memref<3x128x256xf32, #tpu.memory_space<vmem>> -> memref<1x128x256xf32, #tpu.memory_space<vmem>>
    %dma_start3A_99 = tpu.memref_squeeze %dma_start3A_98 : memref<1x128x256xf32, #tpu.memory_space<vmem>> -> memref<128x256xf32, #tpu.memory_space<vmem>>
    %dma_start3A_100 = arith.constant 384 : i32
    %dma_start3A_101 = tpu.memref_slice %arg5[%dma_start3A_100] : memref<512xi32, #tpu.memory_space<vmem>> -> memref<128xi32, #tpu.memory_space<vmem>>
    %dma_start3A_102 = arith.constant 0 : i32
    %dma_start3A_103 = arith.constant 0 : i32
    %dma_start3A_104 = tpu.memref_slice %arg2[%dma_start3A_102, %dma_start3A_103] : memref<100000x256xf32, #tpu.memory_space<hbm>> -> memref<100000x256xf32, #tpu.memory_space<hbm>>
    tpu.enqueue_indirect_dma source(%dma_start3A_104 : memref<100000x256xf32, #tpu.memory_space<hbm>>) target(%dma_start3A_99 : memref<128x256xf32, #tpu.memory_space<vmem>>) offsets(%dma_start3A_101 : memref<128xi32, #tpu.memory_space<vmem>>) semaphore(%arg8 : memref<!tpu.dma_semaphore, #tpu.memory_space<semaphore_mem>>)
    %dma_wait3A_105 = arith.constant 1 : i32
    %dma_wait3A_106 = arith.constant 0 : i32
    %dma_wait3A_107 = arith.constant 0 : i32
    %dma_wait3A_108 = tpu.memref_slice %arg6[%dma_wait3A_105, %dma_wait3A_106, %dma_wait3A_107] : memref<3x128x256xf32, #tpu.memory_space<vmem>> -> memref<1x128x256xf32, #tpu.memory_space<vmem>>
    %dma_wait3A_109 = tpu.memref_squeeze %dma_wait3A_108 : memref<1x128x256xf32, #tpu.memory_space<vmem>> -> memref<128x256xf32, #tpu.memory_space<vmem>>
    %dma_wait3A_110 = arith.constant 128 : i32
    %dma_wait3A_111 = tpu.memref_slice %arg5[%dma_wait3A_110] : memref<512xi32, #tpu.memory_space<vmem>> -> memref<128xi32, #tpu.memory_space<vmem>>
    %dma_wait3A_112 = arith.constant 0 : i32
    %dma_wait3A_113 = arith.constant 0 : i32
    %dma_wait3A_114 = tpu.memref_slice %arg2[%dma_wait3A_112, %dma_wait3A_113] : memref<100000x256xf32, #tpu.memory_space<hbm>> -> memref<100000x256xf32, #tpu.memory_space<hbm>>
    tpu.wait_indirect_dma semaphore(%arg8 : memref<!tpu.dma_semaphore, #tpu.memory_space<semaphore_mem>>) src(%dma_wait3A_114 : memref<100000x256xf32, #tpu.memory_space<hbm>>) dst(%dma_wait3A_109 : memref<128x256xf32, #tpu.memory_space<vmem>>)
    %add3A_115 = arith.constant 128 : i32
    %add3A_116 = arith.addi %mul3A_2, %add3A_115 : i32
    %dma_start3A_117 = arith.constant 1 : i32
    %dma_start3A_118 = arith.constant 0 : i32
    %dma_start3A_119 = arith.constant 0 : i32
    %dma_start3A_120 = tpu.memref_slice %arg6[%dma_start3A_117, %dma_start3A_118, %dma_start3A_119] : memref<3x128x256xf32, #tpu.memory_space<vmem>> -> memref<1x128x256xf32, #tpu.memory_space<vmem>>
    %dma_start3A_121 = tpu.memref_squeeze %dma_start3A_120 : memref<1x128x256xf32, #tpu.memory_space<vmem>> -> memref<128x256xf32, #tpu.memory_space<vmem>>
    %dma_start3A_122 = arith.constant 0 : i32
    %dma_start3A_123 = tpu.memref_slice %arg4[%add3A_116, %dma_start3A_122] : memref<16384x256xf32, #tpu.memory_space<hbm>> -> memref<128x256xf32, #tpu.memory_space<hbm>>
    %dma_start3A_124 = arith.constant 0 : i32
    %dma_start3A_125 = tpu.memref_slice %arg4[%add3A_116, %dma_start3A_124] : memref<16384x256xf32, #tpu.memory_space<hbm>> -> memref<128x256xf32, #tpu.memory_space<hbm>>
    %dma_start3A_126 = arith.constant 0 : i32
    %dma_start3A_127 = arith.constant 0 : i32
    %dma_start3A_128 = tpu.memref_slice %arg6[%dma_start3A_117, %dma_start3A_126, %dma_start3A_127] : memref<3x128x256xf32, #tpu.memory_space<vmem>> -> memref<1x128x256xf32, #tpu.memory_space<vmem>>
    %dma_start3A_129 = tpu.memref_squeeze %dma_start3A_128 : memref<1x128x256xf32, #tpu.memory_space<vmem>> -> memref<128x256xf32, #tpu.memory_space<vmem>>
    tpu.enqueue_dma source(%dma_start3A_129 : memref<128x256xf32, #tpu.memory_space<vmem>>) target(%dma_start3A_125 : memref<128x256xf32, #tpu.memory_space<hbm>>) target_semaphore(%arg9 : memref<!tpu.dma_semaphore, #tpu.memory_space<semaphore_mem>>)
    %dma_wait3A_130 = arith.constant 2 : i32
    %dma_wait3A_131 = arith.constant 0 : i32
    %dma_wait3A_132 = arith.constant 0 : i32
    %dma_wait3A_133 = tpu.memref_slice %arg6[%dma_wait3A_130, %dma_wait3A_131, %dma_wait3A_132] : memref<3x128x256xf32, #tpu.memory_space<vmem>> -> memref<1x128x256xf32, #tpu.memory_space<vmem>>
    %dma_wait3A_134 = tpu.memref_squeeze %dma_wait3A_133 : memref<1x128x256xf32, #tpu.memory_space<vmem>> -> memref<128x256xf32, #tpu.memory_space<vmem>>
    %dma_wait3A_135 = arith.constant 256 : i32
    %dma_wait3A_136 = tpu.memref_slice %arg5[%dma_wait3A_135] : memref<512xi32, #tpu.memory_space<vmem>> -> memref<128xi32, #tpu.memory_space<vmem>>
    %dma_wait3A_137 = arith.constant 0 : i32
    %dma_wait3A_138 = arith.constant 0 : i32
    %dma_wait3A_139 = tpu.memref_slice %arg2[%dma_wait3A_137, %dma_wait3A_138] : memref<100000x256xf32, #tpu.memory_space<hbm>> -> memref<100000x256xf32, #tpu.memory_space<hbm>>
    tpu.wait_indirect_dma semaphore(%arg8 : memref<!tpu.dma_semaphore, #tpu.memory_space<semaphore_mem>>) src(%dma_wait3A_139 : memref<100000x256xf32, #tpu.memory_space<hbm>>) dst(%dma_wait3A_134 : memref<128x256xf32, #tpu.memory_space<vmem>>)
    %add3A_140 = arith.constant 256 : i32
    %add3A_141 = arith.addi %mul3A_2, %add3A_140 : i32
    %dma_start3A_142 = arith.constant 2 : i32
    %dma_start3A_143 = arith.constant 0 : i32
    %dma_start3A_144 = arith.constant 0 : i32
    %dma_start3A_145 = tpu.memref_slice %arg6[%dma_start3A_142, %dma_start3A_143, %dma_start3A_144] : memref<3x128x256xf32, #tpu.memory_space<vmem>> -> memref<1x128x256xf32, #tpu.memory_space<vmem>>
    %dma_start3A_146 = tpu.memref_squeeze %dma_start3A_145 : memref<1x128x256xf32, #tpu.memory_space<vmem>> -> memref<128x256xf32, #tpu.memory_space<vmem>>
    %dma_start3A_147 = arith.constant 0 : i32
    %dma_start3A_148 = tpu.memref_slice %arg4[%add3A_141, %dma_start3A_147] : memref<16384x256xf32, #tpu.memory_space<hbm>> -> memref<128x256xf32, #tpu.memory_space<hbm>>
    %dma_start3A_149 = arith.constant 0 : i32
    %dma_start3A_150 = tpu.memref_slice %arg4[%add3A_141, %dma_start3A_149] : memref<16384x256xf32, #tpu.memory_space<hbm>> -> memref<128x256xf32, #tpu.memory_space<hbm>>
    %dma_start3A_151 = arith.constant 0 : i32
    %dma_start3A_152 = arith.constant 0 : i32
    %dma_start3A_153 = tpu.memref_slice %arg6[%dma_start3A_142, %dma_start3A_151, %dma_start3A_152] : memref<3x128x256xf32, #tpu.memory_space<vmem>> -> memref<1x128x256xf32, #tpu.memory_space<vmem>>
    %dma_start3A_154 = tpu.memref_squeeze %dma_start3A_153 : memref<1x128x256xf32, #tpu.memory_space<vmem>> -> memref<128x256xf32, #tpu.memory_space<vmem>>
    tpu.enqueue_dma source(%dma_start3A_154 : memref<128x256xf32, #tpu.memory_space<vmem>>) target(%dma_start3A_150 : memref<128x256xf32, #tpu.memory_space<hbm>>) target_semaphore(%arg9 : memref<!tpu.dma_semaphore, #tpu.memory_space<semaphore_mem>>)
    %dma_wait3A_155 = arith.constant 0 : i32
    %dma_wait3A_156 = arith.constant 0 : i32
    %dma_wait3A_157 = arith.constant 0 : i32
    %dma_wait3A_158 = tpu.memref_slice %arg6[%dma_wait3A_155, %dma_wait3A_156, %dma_wait3A_157] : memref<3x128x256xf32, #tpu.memory_space<vmem>> -> memref<1x128x256xf32, #tpu.memory_space<vmem>>
    %dma_wait3A_159 = tpu.memref_squeeze %dma_wait3A_158 : memref<1x128x256xf32, #tpu.memory_space<vmem>> -> memref<128x256xf32, #tpu.memory_space<vmem>>
    %dma_wait3A_160 = arith.constant 384 : i32
    %dma_wait3A_161 = tpu.memref_slice %arg5[%dma_wait3A_160] : memref<512xi32, #tpu.memory_space<vmem>> -> memref<128xi32, #tpu.memory_space<vmem>>
    %dma_wait3A_162 = arith.constant 0 : i32
    %dma_wait3A_163 = arith.constant 0 : i32
    %dma_wait3A_164 = tpu.memref_slice %arg2[%dma_wait3A_162, %dma_wait3A_163] : memref<100000x256xf32, #tpu.memory_space<hbm>> -> memref<100000x256xf32, #tpu.memory_space<hbm>>
    tpu.wait_indirect_dma semaphore(%arg8 : memref<!tpu.dma_semaphore, #tpu.memory_space<semaphore_mem>>) src(%dma_wait3A_164 : memref<100000x256xf32, #tpu.memory_space<hbm>>) dst(%dma_wait3A_159 : memref<128x256xf32, #tpu.memory_space<vmem>>)
    %add3A_165 = arith.constant 384 : i32
    %add3A_166 = arith.addi %mul3A_2, %add3A_165 : i32
    %dma_start3A_167 = arith.constant 0 : i32
    %dma_start3A_168 = arith.constant 0 : i32
    %dma_start3A_169 = arith.constant 0 : i32
    %dma_start3A_170 = tpu.memref_slice %arg6[%dma_start3A_167, %dma_start3A_168, %dma_start3A_169] : memref<3x128x256xf32, #tpu.memory_space<vmem>> -> memref<1x128x256xf32, #tpu.memory_space<vmem>>
    %dma_start3A_171 = tpu.memref_squeeze %dma_start3A_170 : memref<1x128x256xf32, #tpu.memory_space<vmem>> -> memref<128x256xf32, #tpu.memory_space<vmem>>
    %dma_start3A_172 = arith.constant 0 : i32
    %dma_start3A_173 = tpu.memref_slice %arg4[%add3A_166, %dma_start3A_172] : memref<16384x256xf32, #tpu.memory_space<hbm>> -> memref<128x256xf32, #tpu.memory_space<hbm>>
    %dma_start3A_174 = arith.constant 0 : i32
    %dma_start3A_175 = tpu.memref_slice %arg4[%add3A_166, %dma_start3A_174] : memref<16384x256xf32, #tpu.memory_space<hbm>> -> memref<128x256xf32, #tpu.memory_space<hbm>>
    %dma_start3A_176 = arith.constant 0 : i32
    %dma_start3A_177 = arith.constant 0 : i32
    %dma_start3A_178 = tpu.memref_slice %arg6[%dma_start3A_167, %dma_start3A_176, %dma_start3A_177] : memref<3x128x256xf32, #tpu.memory_space<vmem>> -> memref<1x128x256xf32, #tpu.memory_space<vmem>>
    %dma_start3A_179 = tpu.memref_squeeze %dma_start3A_178 : memref<1x128x256xf32, #tpu.memory_space<vmem>> -> memref<128x256xf32, #tpu.memory_space<vmem>>
    tpu.enqueue_dma source(%dma_start3A_179 : memref<128x256xf32, #tpu.memory_space<vmem>>) target(%dma_start3A_175 : memref<128x256xf32, #tpu.memory_space<hbm>>) target_semaphore(%arg9 : memref<!tpu.dma_semaphore, #tpu.memory_space<semaphore_mem>>)
    %dma_wait3A_180 = arith.constant 1 : i32
    %dma_wait3A_181 = arith.constant 0 : i32
    %dma_wait3A_182 = arith.constant 0 : i32
    %dma_wait3A_183 = tpu.memref_slice %arg6[%dma_wait3A_180, %dma_wait3A_181, %dma_wait3A_182] : memref<3x128x256xf32, #tpu.memory_space<vmem>> -> memref<1x128x256xf32, #tpu.memory_space<vmem>>
    %dma_wait3A_184 = tpu.memref_squeeze %dma_wait3A_183 : memref<1x128x256xf32, #tpu.memory_space<vmem>> -> memref<128x256xf32, #tpu.memory_space<vmem>>
    %dma_wait3A_185 = arith.constant 0 : i32
    %dma_wait3A_186 = tpu.memref_slice %arg4[%add3A_116, %dma_wait3A_185] : memref<16384x256xf32, #tpu.memory_space<hbm>> -> memref<128x256xf32, #tpu.memory_space<hbm>>
    %dma_wait3A_187 = arith.constant 0 : i32
    %dma_wait3A_188 = tpu.memref_slice %arg4[%add3A_116, %dma_wait3A_187] : memref<16384x256xf32, #tpu.memory_space<hbm>> -> memref<128x256xf32, #tpu.memory_space<hbm>>
    %dma_wait3A_189 = arith.constant 0 : i32
    %dma_wait3A_190 = arith.constant 0 : i32
    %dma_wait3A_191 = tpu.memref_slice %arg6[%dma_wait3A_180, %dma_wait3A_189, %dma_wait3A_190] : memref<3x128x256xf32, #tpu.memory_space<vmem>> -> memref<1x128x256xf32, #tpu.memory_space<vmem>>
    %dma_wait3A_192 = tpu.memref_squeeze %dma_wait3A_191 : memref<1x128x256xf32, #tpu.memory_space<vmem>> -> memref<128x256xf32, #tpu.memory_space<vmem>>
    tpu.wait_dma2 semaphore(%arg9 : memref<!tpu.dma_semaphore, #tpu.memory_space<semaphore_mem>>) src(%dma_wait3A_192 : memref<128x256xf32, #tpu.memory_space<vmem>>) dst(%dma_wait3A_188 : memref<128x256xf32, #tpu.memory_space<hbm>>)
    %dma_wait3A_193 = arith.constant 2 : i32
    %dma_wait3A_194 = arith.constant 0 : i32
    %dma_wait3A_195 = arith.constant 0 : i32
    %dma_wait3A_196 = tpu.memref_slice %arg6[%dma_wait3A_193, %dma_wait3A_194, %dma_wait3A_195] : memref<3x128x256xf32, #tpu.memory_space<vmem>> -> memref<1x128x256xf32, #tpu.memory_space<vmem>>
    %dma_wait3A_197 = tpu.memref_squeeze %dma_wait3A_196 : memref<1x128x256xf32, #tpu.memory_space<vmem>> -> memref<128x256xf32, #tpu.memory_space<vmem>>
    %dma_wait3A_198 = arith.constant 0 : i32
    %dma_wait3A_199 = tpu.memref_slice %arg4[%add3A_141, %dma_wait3A_198] : memref<16384x256xf32, #tpu.memory_space<hbm>> -> memref<128x256xf32, #tpu.memory_space<hbm>>
    %dma_wait3A_200 = arith.constant 0 : i32
    %dma_wait3A_201 = tpu.memref_slice %arg4[%add3A_141, %dma_wait3A_200] : memref<16384x256xf32, #tpu.memory_space<hbm>> -> memref<128x256xf32, #tpu.memory_space<hbm>>
    %dma_wait3A_202 = arith.constant 0 : i32
    %dma_wait3A_203 = arith.constant 0 : i32
    %dma_wait3A_204 = tpu.memref_slice %arg6[%dma_wait3A_193, %dma_wait3A_202, %dma_wait3A_203] : memref<3x128x256xf32, #tpu.memory_space<vmem>> -> memref<1x128x256xf32, #tpu.memory_space<vmem>>
    %dma_wait3A_205 = tpu.memref_squeeze %dma_wait3A_204 : memref<1x128x256xf32, #tpu.memory_space<vmem>> -> memref<128x256xf32, #tpu.memory_space<vmem>>
    tpu.wait_dma2 semaphore(%arg9 : memref<!tpu.dma_semaphore, #tpu.memory_space<semaphore_mem>>) src(%dma_wait3A_205 : memref<128x256xf32, #tpu.memory_space<vmem>>) dst(%dma_wait3A_201 : memref<128x256xf32, #tpu.memory_space<hbm>>)
    %dma_wait3A_206 = arith.constant 0 : i32
    %dma_wait3A_207 = arith.constant 0 : i32
    %dma_wait3A_208 = arith.constant 0 : i32
    %dma_wait3A_209 = tpu.memref_slice %arg6[%dma_wait3A_206, %dma_wait3A_207, %dma_wait3A_208] : memref<3x128x256xf32, #tpu.memory_space<vmem>> -> memref<1x128x256xf32, #tpu.memory_space<vmem>>
    %dma_wait3A_210 = tpu.memref_squeeze %dma_wait3A_209 : memref<1x128x256xf32, #tpu.memory_space<vmem>> -> memref<128x256xf32, #tpu.memory_space<vmem>>
    %dma_wait3A_211 = arith.constant 0 : i32
    %dma_wait3A_212 = tpu.memref_slice %arg4[%add3A_166, %dma_wait3A_211] : memref<16384x256xf32, #tpu.memory_space<hbm>> -> memref<128x256xf32, #tpu.memory_space<hbm>>
    %dma_wait3A_213 = arith.constant 0 : i32
    %dma_wait3A_214 = tpu.memref_slice %arg4[%add3A_166, %dma_wait3A_213] : memref<16384x256xf32, #tpu.memory_space<hbm>> -> memref<128x256xf32, #tpu.memory_space<hbm>>
    %dma_wait3A_215 = arith.constant 0 : i32
    %dma_wait3A_216 = arith.constant 0 : i32
    %dma_wait3A_217 = tpu.memref_slice %arg6[%dma_wait3A_206, %dma_wait3A_215, %dma_wait3A_216] : memref<3x128x256xf32, #tpu.memory_space<vmem>> -> memref<1x128x256xf32, #tpu.memory_space<vmem>>
    %dma_wait3A_218 = tpu.memref_squeeze %dma_wait3A_217 : memref<1x128x256xf32, #tpu.memory_space<vmem>> -> memref<128x256xf32, #tpu.memory_space<vmem>>
    tpu.wait_dma2 semaphore(%arg9 : memref<!tpu.dma_semaphore, #tpu.memory_space<semaphore_mem>>) src(%dma_wait3A_218 : memref<128x256xf32, #tpu.memory_space<vmem>>) dst(%dma_wait3A_214 : memref<128x256xf32, #tpu.memory_space<hbm>>)
    return
  }
}

</mosaic_0001>

<sc_bundles>
// kernel: kernel.3.cloned.1.call-start
scs
__scs_entry_jumppad:
0x0: {  	(pc) =	sbr.rel $0x88, $3  }
0x1: {  	(tag) =	ssettag $0x0;
	lr =	simm.s32 $0x1  }
0x2: {  	[smem:$0x3F9F] =	sst lr;
	_ =	strace $0xD0000000  }
0x3: {  	_ = 	snop  }
0x4: {  	_ = 	snop  }
0x5: {  	_ = 	snop  }
0x6: {  	_ = 	snop  }
0x7: {  	_ = 	snop  }
__scs_overlays_trampoline_lowered:
0x8: {  	[smem:$0x3FAE] =	sst s0  }
0x9: {  	[smem:$0x3FAF] =	sst s1  }
0xa: {  	[smem:$0x3FB0] =	sst s2  }
0xb: {  	[smem:$0x3FB1] =	sst s3  }
0xc: {  	[smem:$0x3FB2] =	sst s4  }
0xd: {  	[smem:$0x3FB3] =	sst s5  }
0xe: {  	[smem:$0x3FB4] =	sst s6  }
0xf: {  	[smem:$0x3FB5] =	sst s7  }
0x10: {  	[smem:$0x3FB6] =	sst s8  }
0x11: {  	[smem:$0x3FB7] =	sst s9;
	s0 =	simm.s32 @!p0 $0x0  }
0x12: {  	s1 =	sld [smem:$0x3F9D];
	s0 =	simm.s32 @p0 $0x1  }
0x13: {  	[smem:$0x3FB8] =	sst s0;
	s0 =	simm.s32 @!p1 $0x0  }
0x14: {  	s2 =	sld [smem:$0x3F9C];
	s0 =	simm.s32 @p1 $0x1  }
0x15: {  	[smem:$0x3FB9] =	sst s0;
	s0 =	simm.s32 @!p2 $0x0  }
0x16: {  	s3 =	sld [smem:$0x3FDB];
	s0 =	simm.s32 @p2 $0x1  }
0x17: {  	s4 =	simm.s32 $0x1BF5;
	[smem:$0x3FBB] =	sst s0  }
0x18: {  	s0 =	sld [smem:$0x3F9E];
	_ =	swait.ge [sflag:s4], $0x0  }
0x19: {  	s7 =	sld [smem:$0x3F9F]  }
0x1a: {  	s8 =	sadd.s32 $0xFFFFE003, lr  }
0x1b: {  	s9 =	sadd.s32 $0xFFFFFEF7, lr;
	s5 =	simm.s32 $0xFFFFFFFF;
	p2 =	slt.u32 s8, $0xFFFFF086  }
0x1c: {  	p1 =	slt.u32 s9, $0xF7A;
	s5 =	simm.s32 @!p2 $0x0  }
0x1d: {  	s5 =	simm.s32 @p1 $0x1;
	p0 =	seq.s32 s7, s2  }
0x1e: {  	s7 =	smul.u32 @!p0 $0xF7A, s2;
	p2 =	seq.s32 @!p0 s5, $0x0  }
0x1f: {  	s9 =	smul.u32 $0xF7A, s1;
	s8 =	simm.s32 @!p0 $0x1BF5;
	p2 =	por !p2, p0  }
0x20: {  	[sflag:s8] =	ssyncset.s32 @!p0 $0xFFFFF086;
	s6 =	sadd.s32 @!p0 s3, s7;
	s7 =	simm.s32 @!p0 $0x108  }
0x21: {  	s3 =	sadd.s32 s3, s9;
	s6 =	sadd.s32 @!p0 $0x88, s6;
	s7 =	simm.s32 @p2 $0x1082  }
0x22: {  	[simem:s7], [sflag:s8] =	dma.local @!p0 [hbm:s6], $0xF7A  }
0x23: {  	s9 =	sor.u32 $0xD0000000, s2;
	s6 =	simm.s32 $0x108;
	_ =	swait.ge @!p0 [sflag:s8], $0x0  }
0x24: {  	s3 =	sadd.s32 $0x88, s3;
	s6 =	simm.s32 @!p1 $0x1082;
	[sflag:s4] =	ssyncset.s32 $0xFFFFF086  }
0x25: {  	[simem:s6], [sflag:s4] =	dma.local [hbm:s3], $0xF7A  }
0x26: {  	[smem:$0x3F9F] =	sst s1;
	(tag) =	ssettag s2;
	_ =	strace s9  }
0x27: {  	s1 =	sld [smem:$0x3FAF]  }
0x28: {  	s2 =	sld [smem:$0x3FB0]  }
0x29: {  	s4 =	sld [smem:$0x3FB2]  }
0x2a: {  	p0 =	seq.s32 s5, $0x0;
	s5 =	sld [smem:$0x3FB3]  }
0x2b: {  	s6 =	sld [smem:$0x3FB4]  }
0x2c: {  	s7 =	sld [smem:$0x3FB5]  }
0x2d: {  	s3 =	simm.s32 $0x108;
	s8 =	sld [smem:$0x3FB6]  }
0x2e: {  	s3 =	simm.s32 @!p0 $0x1082;
	s9 =	sld [smem:$0x3FB7]  }
0x2f: {  	lr =	sadd.s32 s0, s3;
	s0 =	sld [smem:$0x3FAE]  }
0x30: {  	s3 =	sld [smem:$0x3FB1]  }
0x31: {  	[smem:$0x3FBA] =	sst s10  }
0x32: {  	s10 =	sld [smem:$0x3FB8];
	_ =	sdelay $0x3  }
0x33: {  	p0 =	seq.s32 s10, $0x1;
	s10 =	sld [smem:$0x3FBA];
	_ =	sdelay $0x3  }
0x34: {  	[smem:$0x3FBA] =	sst s10  }
0x35: {  	s10 =	sld [smem:$0x3FB9];
	_ =	sdelay $0x3  }
0x36: {  	p1 =	seq.s32 s10, $0x1;
	s10 =	sld [smem:$0x3FBA];
	_ =	sdelay $0x3  }
0x37: {  	[smem:$0x3FBA] =	sst s10  }
0x38: {  	s10 =	sld [smem:$0x3FBB]  }
0x39: {  	_ = 	snop;
	(pc) =	sbr.ind lr, $3  }
0x3a: {  	_ = 	snop  }
0x3b: {  	_ = 	snop  }
0x3c: {  	p2 =	seq.s32 s10, $0x1;
	s10 =	sld [smem:$0x3FBA]  }
0x3d: {  	_ =	shalt  }
0x3e: {  	_ =	shalt  }
0x3f: {  	_ =	shalt  }
0x40: {  	_ =	shalt  }
0x41: {  	_ =	shalt  }
0x42: {  	_ =	shalt  }
0x43: {  	_ =	shalt  }
0x44: {  	_ =	shalt  }
0x45: {  	_ =	shalt  }
0x46: {  	_ =	shalt  }
0x47: {  	_ =	shalt  }
0x48: {  	_ =	shalt  }
0x49: {  	_ =	shalt  }
0x4a: {  	_ =	shalt  }
0x4b: {  	_ =	shalt  }
0x4c: {  	_ =	shalt  }
0x4d: {  	_ =	shalt  }
0x4e: {  	_ =	shalt  }
0x4f: {  	_ =	shalt  }
0x50: {  	_ =	shalt  }
0x51: {  	_ =	shalt  }
0x52: {  	_ =	shalt  }
0x53: {  	_ =	shalt  }
0x54: {  	_ =	shalt  }
0x55: {  	_ =	shalt  }
0x56: {  	_ =	shalt  }
0x57: {  	_ =	shalt  }
0x58: {  	_ =	shalt  }
0x59: {  	_ =	shalt  }
0x5a: {  	_ =	shalt  }
0x5b: {  	_ =	shalt  }
0x5c: {  	_ =	shalt  }
0x5d: {  	_ =	shalt  }
0x5e: {  	_ =	shalt  }
0x5f: {  	_ =	shalt  }
0x60: {  	_ =	shalt  }
0x61: {  	_ =	shalt  }
0x62: {  	_ =	shalt  }
0x63: {  	_ =	shalt  }
0x64: {  	_ =	shalt  }
0x65: {  	_ =	shalt  }
0x66: {  	_ =	shalt  }
0x67: {  	_ =	shalt  }
0x68: {  	_ =	shalt  }
0x69: {  	_ =	shalt  }
0x6a: {  	_ =	shalt  }
0x6b: {  	_ =	shalt  }
0x6c: {  	_ =	shalt  }
0x6d: {  	_ =	shalt  }
0x6e: {  	_ =	shalt  }
0x6f: {  	_ =	shalt  }
0x70: {  	_ =	shalt  }
0x71: {  	_ =	shalt  }
0x72: {  	_ =	shalt  }
0x73: {  	_ =	shalt  }
0x74: {  	_ =	shalt  }
0x75: {  	_ =	shalt  }
0x76: {  	_ =	shalt  }
0x77: {  	_ =	shalt  }
0x78: {  	_ =	shalt  }
0x79: {  	_ =	shalt  }
0x7a: {  	_ =	shalt  }
0x7b: {  	_ =	shalt  }
0x7c: {  	_ =	shalt  }
0x7d: {  	_ =	shalt  }
0x7e: {  	_ =	shalt  }
0x7f: {  	_ =	shalt  }
0x80: {  	_ =	shalt  }
0x81: {  	_ =	shalt  }
0x82: {  	_ =	shalt  }
0x83: {  	_ =	shalt  }
0x84: {  	_ =	shalt  }
0x85: {  	_ =	shalt  }
0x86: {  	_ =	shalt  }
0x87: {  	_ =	shalt  }
.Lfunc_end0:
.L_simem_size_0:
called_computation_lowered:
.L_overlay_start_0:
0x88: {  	s2 =	sld [smem:$0x3FD9]  }
0x89: {  	s3 =	sld [smem:$0x3FFE];
	_ =	sdelay $0x1  }
0x8a: {  	s1 =	srdreg.scid  }
0x8b: {  	s0 =	sand.u32 $0x1, s1  }
0x8c: {  	s18 =	sshll.u32 s0, $0xA;
	s2 =	sadd.s32 s3, s2  }
0x8d: {  	s2 =	sadd.s32 s2, s18  }
0x8e: {  	[smem:$0x3FC6] =	sst s2  }
0x8f: {  	_ = 	snop  }
0x90: {  	s2 =	sld [smem:$0x3FC9]  }
0x91: {  	s19 =	sld [smem:$0x3FC8]  }
0x92: {  	s4 =	sld [smem:$0x3FD0];
	(tm) =	ssettm $0x1  }
0x93: {  	s5 =	sld [smem:$0x3FFB];
	_ =	sdelay $0x3  }
0x94: {  	_ =	strace s5  }
0x95: {  	s5 =	sld [smem:$0x3FFC];
	_ =	sdelay $0x3  }
0x96: {  	_ =	strace s5  }
0x97: {  	s5 =	sld [smem:$0x3FFD];
	_ =	sdelay $0x3  }
0x98: {  	_ =	strace s5  }
0x99: {  	_ =	strace $0x8FFFFFFF  }
0x9a: {  	s20 =	sld [smem:$0x3FDB];
	_ =	sdelay $0x1  }
0x9b: {  	s6 =	simm.s32 $_scs_section_size  }
0x9c: {  	s7 =	simm.s32 $_size__tile_overlayer_lowered;
	s8 =	simm.s32 $_tile_overlayer_lowered  }
0x9d: {  	s23 =	simm.s32 $0x1BFF;
	s22 =	sshll.u32 s8, $0x1;
	s5 =	sadd.s32 s6, s20  }
0x9e: {  	s9 =	simm.s32 $0x0;
	s21 =	sshll.u32 s7, $0x1;
	s7 =	sadd.s32 s22, s5  }
0x9f: {  	[timem:s9], [sflag:s23] =	dma.local [hbm:s7], s21  }
0xa0: {  	_ =	swait.ge [sflag:s23], s21  }
0xa1: {  	s6 =	ssub.s32 $0x0, s21;
	[sflag:s23] =	ssyncset.done $0x0  }
0xa2: {  	[sflag:s23] =	ssyncadd.s32 s6;
	_ =	sdelay $0x1  }
0xa3: {  	s24 =	simm.s32 $0x1B8B  }
0xa4: {  	_ =	swait.ge [sflag:s24], $0x1  }
0xa5: {  	[sflag:s24] =	ssyncset.done $0x0  }
0xa6: {  	s25 =	simm.s32 $0x1B8E;
	[sflag:s24] =	ssyncadd.s32 $0xFFFFFFFF  }
0xa7: {  	s26 =	simm.s32 $execute0_lowered;
	[smem:$0x3FD2] =	sst s25  }
0xa8: {  	s6 =	sshll.u32 s26, $0x1;
	_ =	strace $0x80000046;
	[dreg:$0x1] =	wrdreg $0xFFFFFFFF  }
0xa9: {  	s28 =	simm.s32 $_size_execute0_lowered;
	s5 =	sadd.s32 s5, s6;
	[dreg:$0x0] =	wrdreg $0x0  }
0xaa: {  	s6 =	sshll.u32 s28, $0x1;
	[dreg:$0x2] =	wrdreg s5  }
0xab: {  	[dreg:$0x3] =	wrdreg s6  }
0xac: {  	[dreg:$0x4] =	wrdreg $0xC0  }
0xad: {  	_ =	task [dreg:s9], $0x5FFFF  }
0xae: {  	[dreg:$0x1] =	wrdreg $0xFFFFFFFF  }
0xaf: {  	[dreg:$0x0] =	wrdreg $0x60  }
0xb0: {  	[dreg:$0x2] =	wrdreg s2  }
0xb1: {  	[dreg:$0x3] =	wrdreg s19  }
0xb2: {  	[dreg:$0x4] =	wrdreg s4  }
0xb3: {  	[dreg:$0x5] =	wrdreg $0x9  }
0xb4: {  	_ =	task.clear_ibuf [dreg:s9], $0x6FFFF;
	_ =	strace $0x90000046  }
0xb5: {  	s29 =	simm.s32 $0x9;
	_ =	strace $0x80000048  }
0xb6: {  	_ =	swait.ge [sflag:s29], $0x1  }
0xb7: {  	[sflag:s29] =	ssyncadd.s32 $0xFFFFFFFF  }
0xb8: {  	_ =	strace $0x90000048  }
0xb9: {  	_ =	sfence  }
0xba: {  	s30 =	sld [smem:$0x0];
	_ =	sdelay $0x2  }
0xbb: {  	s31 =	sshll.u32 s1, $0xD;
	s1 =	sshrl.u32 s1, $0x2  }
0xbc: {  	s3 =	sand.u32 $0x4000, s31;
	s1 =	sadd.s32 s1, s30  }
0xbd: {  	s0 =	sor.u32 s3, s0;
	s1 =	sshll.u32 s1, $0x11  }
0xbe: {  	s0 =	sor.u32 s1, s0  }
0xbf: {  	s0 =	sadd.s32 $0x8F2B, s0  }
0xc0: {  	[sflag:s0] =	ssyncadd.remote.s32 $0x1  }
0xc1: {  	_ =	sfence.sel $0xFFFF  }
0xc2: {  	[dreg:$0x0] =	wrdreg $0xFFFFFFFF;
	(pc) =	sbr.abs _section_cstart, $3  }
0xc3: {  	[dreg:$0x1] =	wrdreg $0xFFFFFFFF  }
0xc4: {  	_ =	task.clear_ibuf [dreg:s9], $0x2FFFF;
	_ =	strace $0x9FFFFFFF  }
0xc5: {  	(tm) =	ssettm $0x7FFFFFFF  }
tec
execute0_lowered:
.L_overlay_start_1:
0x0: {  	(tag) =	ssettag $0x1  }
0x1: {  	s1 =	rddreg [dreg:$0x0]  }
0x2: {  	s2 =	srdreg.scid;
	s4 =	rddreg [dreg:$0x1]  }
0x3: {  	s0 =	stileid.u32;
	s5 =	rddreg [dreg:$0x2];
	s3 =	simm.s32 $0x0  }
0x4: {  	s21 =	simm.s32 $0x80;
	s22 =	simm.s32 $0x8A00;
	[smem:$0x7FF] =	sst s3  }
0x5: {  	s23 =	simm.s32 $0x9200;
	_ =	strace $0x80000047;
	[dreg:$0x9] =	wrdreg s21  }
0x6: {  	s24 =	simm.s32 $0x9A00;
	s25 =	simm.s32 $0xA200;
	[dreg:$0xa] =	wrdreg s22  }
0x7: {  	s9 =	simm.s32 $0xC200;
	s10 =	simm.s32 $0xCA00;
	[dreg:$0xb] =	wrdreg s23  }
0x8: {  	s11 =	simm.s32 $0xD200;
	s12 =	simm.s32 $0xDA00;
	[dreg:$0xc] =	wrdreg s24  }
0x9: {  	s6 =	sshll.u32 s0, $0xA;
	s0 =	simm.s32 $0xAA00;
	[dreg:$0xd] =	wrdreg s25  }
0xa: {  	s13 =	simm.s32 $0xE200;
	s14 =	simm.s32 $0xEA00;
	[dreg:$0xe] =	wrdreg s0  }
0xb: {  	s15 =	simm.s32 $0xF200;
	s16 =	simm.s32 $0xFA00;
	[dreg:$0x11] =	wrdreg s9  }
0xc: {  	s28 =	simm.s32 $0x16A00;
	s29 =	simm.s32 $0x17200;
	[dreg:$0x12] =	wrdreg s10  }
0xd: {  	s30 =	simm.s32 $0x17A00;
	s2 =	sand.u32 $0x1, s2;
	[dreg:$0x13] =	wrdreg s11  }
0xe: {  	s31 =	simm.s32 $0x2;
	s7 =	sshll.u32 s2, $0x9;
	[dreg:$0x14] =	wrdreg s12  }
0xf: {  	s2 =	ssub.s32 $0x2, s2;
	s9 =	simm.s32 $0x1200;
	[dreg:$0x15] =	wrdreg s13  }
0x10: {  	s10 =	simm.s32 $0x1A00;
	s11 =	simm.s32 $0x2200;
	[dreg:$0x16] =	wrdreg s14  }
0x11: {  	s12 =	simm.s32 $0x2A00;
	s13 =	simm.s32 $0x3200;
	[dreg:$0x17] =	wrdreg s15  }
0x12: {  	s14 =	simm.s32 $0x3A00;
	[dreg:$0x18] =	wrdreg s16;
	s15 =	simm.s32 $0x4200  }
0x13: {  	s16 =	simm.s32 $0x4A00;
	s21 =	simm.s32 $0x12A00;
	s22 =	simm.s32 $0x13200  }
0x14: {  	s23 =	simm.s32 $0x13A00;
	s24 =	simm.s32 $0x14200;
	[dreg:$0x1d] =	wrdreg s21  }
0x15: {  	s25 =	simm.s32 $0x14A00;
	s6 =	sor.u32 s7, s6;
	[dreg:$0x1e] =	wrdreg s22  }
0x16: {  	s26 =	sshrl.u32 s2, $0x1;
	s21 =	simm.s32 $0x7200;
	[dreg:$0x1f] =	wrdreg s23  }
0x17: {  	s22 =	simm.s32 $0x7A00;
	[smem:$0x7FB] =	sst s24;
	s23 =	simm.s32 $0x8200  }
0x18: {  	[smem:$0x7FC] =	sst s25;
	s24 =	simm.s32 $0x10200;
	s7 =	sshrl.u32 s6, $0x3  }
0x19: {  	s8 =	sor.u32 $0x80, s6;
	s2 =	ssub.s32 s2, s26;
	s26 =	simm.s32 $0x15200  }
0x1a: {  	s7 =	sadd.s32 s4, s7;
	s17 =	sshrl.u32 s8, $0x3;
	[smem:$0x7FD] =	sst s26  }
0x1b: {  	s18 =	sshll.u32 s8, $0x5;
	s8 =	simm.s32 $0xBA00;
	[dreg:$0x4] =	wrdreg s7  }
0x1c: {  	s6 =	sshll.u32 s6, $0x5;
	s4 =	sadd.s32 s4, s17;
	[dreg:$0x10] =	wrdreg s8  }
0x1d: {  	s7 =	simm.s32 $0xB200;
	s8 =	simm.s32 $0xA00;
	[dreg:$0x5] =	wrdreg s4  }
0x1e: {  	s17 =	simm.s32 $0x10A00;
	s4 =	sadd.s32 s5, s6;
	[dreg:$0xf] =	wrdreg s7  }
0x1f: {  	s5 =	sadd.s32 s5, s18;
	s6 =	simm.s32 $0x1;
	[dreg:$0x19] =	wrdreg s17  }
0x20: {  	s7 =	simm.s32 $0x200;
	s18 =	simm.s32 $0x11200;
	[dreg:$0x6] =	wrdreg s5  }
0x21: {  	s17 =	simm.s32 $0x5200;
	s19 =	sadd.s32 $0x2000, s4;
	[dreg:$0x1a] =	wrdreg s18  }
0x22: {  	s20 =	sadd.s32 $0x3000, s4;
	s5 =	smax.u32 s2, $0x1;
	[dreg:$0x7] =	wrdreg s19  }
0x23: {  	v2 =	vlaneseq.u32;
	s18 =	simm.s32 $0x5A00;
	[dreg:$0x8] =	wrdreg s20;
	s19 =	simm.s32 $0x11A00  }
0x24: {  	vm0 =	vmmov $0xffff;
	v1 =	vshrl.u32 v2, $0x3;
	s2 =	simm.s32 $0x3;
	s20 =	simm.s32 $0x12200;
	[dreg:$0x1b] =	wrdreg s19  }
0x25: {  	v0 =	vand.u32 $0x7, v2;
	v2 =	vor.u32 $0x8, v2;
	v1 =	vmul.u32 $0x8, v1;
	[dreg:$0x1c] =	wrdreg s20;
	s19 =	simm.s32 $0x6200;
	s20 =	simm.s32 $0x6A00  }
.LBB2_1:
0x26: {  	s0 =	rddreg [dreg:$0x4]  }
0x27: {  	s25 =	rddreg [dreg:$0x5]  }
0x28: {  	[tilespmem:s3], [sflag:$0x1] =	stream.linear.gather [hbm4b:s0+s3], $0x80, $0x38;
	[tilespmem:$0x18200] =	vst v63  }
0x29: {  	s26 =	rddreg [dreg:$0x9]  }
0x2a: {  	[tilespmem:s26], [sflag:$0x1] =	stream.linear.gather [hbm4b:s25+s3], $0x180, $0x38;
	[tilespmem:$0x18200] =	vst v63  }
0x2b: {  	_ =	swait.ge [sflag:s6], $0x80  }
0x2c: {  	[sflag:s6] =	ssyncset.done $0x0  }
0x2d: {  	[sflag:s6] =	ssyncadd.s32 $0xFFFFFF80  }
0x2e: {  	v3 =	vld [tilespmem:$0x0];
	_ =	sdelay $0x4  }
0x2f: {  	v4 =	vshll.u32 v3, $0x1  }
0x30: {  	v3 =	vand.u32 $0x7, v3;
	v4 =	vand.u32 $0xFFFFFFF0, v4  }
0x31: {  	v3 =	vor.u32 v3, v4  }
0x32: {  	v4 =	vperm.xlane v3, v0;
	_ =	sdelay $0x1  }
0x33: {  	v3 =	vperm.xlane v3, v2;
	v4 =	vadd.s32 v1, v4;
	_ =	sdelay $0x1  }
0x34: {  	v3 =	vadd.s32 v1, v3;
	_ =	sdelay $0x2  }
0x35: {  	[tilespmem:s7], [sflag:$0x2] =	stream.indirect_vreg.gather [hbm4b:s1+s3], $0x80, v4, vm0, $0xb8;
	[tilespmem:$0x18200] =	vst v63  }
0x36: {  	_ = 	snop  }
0x37: {  	[tilespmem:s8], [sflag:$0x2] =	stream.indirect_vreg.gather [hbm4b:s1+s3], $0x80, v3, vm0, $0xb8;
	[tilespmem:$0x18200] =	vst v63  }
0x38: {  	v3 =	vld [tilespmem:$0x10];
	_ =	sdelay $0x4  }
0x39: {  	v33 =	vshll.u32 v3, $0x1  }
0x3a: {  	v3 =	vand.u32 $0x7, v3;
	v4 =	vand.u32 $0xFFFFFFF0, v33  }
0x3b: {  	v3 =	vor.u32 v3, v4  }
0x3c: {  	v4 =	vperm.xlane v3, v0;
	_ =	sdelay $0x1  }
0x3d: {  	v3 =	vperm.xlane v3, v2;
	v4 =	vadd.s32 v1, v4;
	_ =	sdelay $0x1  }
0x3e: {  	v3 =	vadd.s32 v1, v3;
	_ =	sdelay $0x2  }
0x3f: {  	[tilespmem:s9], [sflag:$0x2] =	stream.indirect_vreg.gather [hbm4b:s1+s3], $0x80, v4, vm0, $0xb8;
	[tilespmem:$0x18200] =	vst v63  }
0x40: {  	_ = 	snop  }
0x41: {  	[tilespmem:s10], [sflag:$0x2] =	stream.indirect_vreg.gather [hbm4b:s1+s3], $0x80, v3, vm0, $0xb8;
	[tilespmem:$0x18200] =	vst v63  }
0x42: {  	v3 =	vld [tilespmem:$0x20];
	_ =	sdelay $0x4  }
0x43: {  	v34 =	vshll.u32 v3, $0x1  }
0x44: {  	v3 =	vand.u32 $0x7, v3;
	v4 =	vand.u32 $0xFFFFFFF0, v34  }
0x45: {  	v3 =	vor.u32 v3, v4  }
0x46: {  	v4 =	vperm.xlane v3, v0;
	_ =	sdelay $0x1  }
0x47: {  	v3 =	vperm.xlane v3, v2;
	v4 =	vadd.s32 v1, v4;
	_ =	sdelay $0x1  }
0x48: {  	v3 =	vadd.s32 v1, v3;
	_ =	sdelay $0x2  }
0x49: {  	[tilespmem:s11], [sflag:$0x2] =	stream.indirect_vreg.gather [hbm4b:s1+s3], $0x80, v4, vm0, $0xb8;
	[tilespmem:$0x18200] =	vst v63  }
0x4a: {  	_ = 	snop  }
0x4b: {  	[tilespmem:s12], [sflag:$0x2] =	stream.indirect_vreg.gather [hbm4b:s1+s3], $0x80, v3, vm0, $0xb8;
	[tilespmem:$0x18200] =	vst v63  }
0x4c: {  	v3 =	vld [tilespmem:$0x30];
	_ =	sdelay $0x4  }
0x4d: {  	v35 =	vshll.u32 v3, $0x1  }
0x4e: {  	v3 =	vand.u32 $0x7, v3;
	v4 =	vand.u32 $0xFFFFFFF0, v35  }
0x4f: {  	v3 =	vor.u32 v3, v4  }
0x50: {  	v4 =	vperm.xlane v3, v0;
	_ =	sdelay $0x1  }
0x51: {  	v3 =	vperm.xlane v3, v2;
	v4 =	vadd.s32 v1, v4;
	_ =	sdelay $0x1  }
0x52: {  	v3 =	vadd.s32 v1, v3;
	_ =	sdelay $0x2  }
0x53: {  	[tilespmem:s13], [sflag:$0x2] =	stream.indirect_vreg.gather [hbm4b:s1+s3], $0x80, v4, vm0, $0xb8;
	[tilespmem:$0x18200] =	vst v63  }
0x54: {  	_ = 	snop  }
0x55: {  	[tilespmem:s14], [sflag:$0x2] =	stream.indirect_vreg.gather [hbm4b:s1+s3], $0x80, v3, vm0, $0xb8;
	[tilespmem:$0x18200] =	vst v63  }
0x56: {  	v3 =	vld [tilespmem:$0x40];
	_ =	sdelay $0x4  }
0x57: {  	v36 =	vshll.u32 v3, $0x1  }
0x58: {  	v3 =	vand.u32 $0x7, v3;
	v4 =	vand.u32 $0xFFFFFFF0, v36  }
0x59: {  	v3 =	vor.u32 v3, v4  }
0x5a: {  	v4 =	vperm.xlane v3, v0;
	_ =	sdelay $0x1  }
0x5b: {  	v3 =	vperm.xlane v3, v2;
	v4 =	vadd.s32 v1, v4;
	_ =	sdelay $0x1  }
0x5c: {  	v3 =	vadd.s32 v1, v3;
	_ =	sdelay $0x2  }
0x5d: {  	[tilespmem:s15], [sflag:$0x2] =	stream.indirect_vreg.gather [hbm4b:s1+s3], $0x80, v4, vm0, $0xb8;
	[tilespmem:$0x18200] =	vst v63  }
0x5e: {  	_ = 	snop  }
0x5f: {  	[tilespmem:s16], [sflag:$0x2] =	stream.indirect_vreg.gather [hbm4b:s1+s3], $0x80, v3, vm0, $0xb8;
	[tilespmem:$0x18200] =	vst v63  }
0x60: {  	v3 =	vld [tilespmem:$0x50];
	_ =	sdelay $0x4  }
0x61: {  	v37 =	vshll.u32 v3, $0x1  }
0x62: {  	v3 =	vand.u32 $0x7, v3;
	v4 =	vand.u32 $0xFFFFFFF0, v37  }
0x63: {  	v3 =	vor.u32 v3, v4  }
0x64: {  	v4 =	vperm.xlane v3, v0;
	_ =	sdelay $0x1  }
0x65: {  	v3 =	vperm.xlane v3, v2;
	v4 =	vadd.s32 v1, v4;
	_ =	sdelay $0x1  }
0x66: {  	v3 =	vadd.s32 v1, v3;
	_ =	sdelay $0x2  }
0x67: {  	[tilespmem:s17], [sflag:$0x2] =	stream.indirect_vreg.gather [hbm4b:s1+s3], $0x80, v4, vm0, $0xb8;
	[tilespmem:$0x18200] =	vst v63  }
0x68: {  	_ = 	snop  }
0x69: {  	[tilespmem:s18], [sflag:$0x2] =	stream.indirect_vreg.gather [hbm4b:s1+s3], $0x80, v3, vm0, $0xb8;
	[tilespmem:$0x18200] =	vst v63  }
0x6a: {  	v3 =	vld [tilespmem:$0x60];
	_ =	sdelay $0x4  }
0x6b: {  	v38 =	vshll.u32 v3, $0x1  }
0x6c: {  	v3 =	vand.u32 $0x7, v3;
	v4 =	vand.u32 $0xFFFFFFF0, v38  }
0x6d: {  	v3 =	vor.u32 v3, v4  }
0x6e: {  	v4 =	vperm.xlane v3, v0;
	_ =	sdelay $0x1  }
0x6f: {  	v3 =	vperm.xlane v3, v2;
	v4 =	vadd.s32 v1, v4;
	_ =	sdelay $0x1  }
0x70: {  	v3 =	vadd.s32 v1, v3;
	_ =	sdelay $0x2  }
0x71: {  	[tilespmem:s19], [sflag:$0x2] =	stream.indirect_vreg.gather [hbm4b:s1+s3], $0x80, v4, vm0, $0xb8;
	[tilespmem:$0x18200] =	vst v63  }
0x72: {  	_ = 	snop  }
0x73: {  	[tilespmem:s20], [sflag:$0x2] =	stream.indirect_vreg.gather [hbm4b:s1+s3], $0x80, v3, vm0, $0xb8;
	[tilespmem:$0x18200] =	vst v63  }
0x74: {  	v3 =	vld [tilespmem:$0x70];
	_ =	sdelay $0x4  }
0x75: {  	v39 =	vshll.u32 v3, $0x1  }
0x76: {  	v3 =	vand.u32 $0x7, v3;
	v4 =	vand.u32 $0xFFFFFFF0, v39  }
0x77: {  	v3 =	vor.u32 v3, v4  }
0x78: {  	v4 =	vperm.xlane v3, v0;
	_ =	sdelay $0x1  }
0x79: {  	v3 =	vperm.xlane v3, v2;
	v4 =	vadd.s32 v1, v4;
	_ =	sdelay $0x1  }
0x7a: {  	v3 =	vadd.s32 v1, v3;
	_ =	sdelay $0x2  }
0x7b: {  	[tilespmem:s21], [sflag:$0x2] =	stream.indirect_vreg.gather [hbm4b:s1+s3], $0x80, v4, vm0, $0xb8;
	[tilespmem:$0x18200] =	vst v63  }
0x7c: {  	_ = 	snop  }
0x7d: {  	[tilespmem:s22], [sflag:$0x2] =	stream.indirect_vreg.gather [hbm4b:s1+s3], $0x80, v3, vm0, $0xb8;
	[tilespmem:$0x18200] =	vst v63  }
0x7e: {  	_ =	swait.ge [sflag:s6], $0x180  }
0x7f: {  	[sflag:s6] =	ssyncset.done $0x0  }
0x80: {  	[sflag:s6] =	ssyncadd.s32 $0xFFFFFE80  }
0x81: {  	v3 =	vld [tilespmem:$0x80];
	_ =	sdelay $0x4  }
0x82: {  	v40 =	vshll.u32 v3, $0x1  }
0x83: {  	v3 =	vand.u32 $0x7, v3;
	v4 =	vand.u32 $0xFFFFFFF0, v40  }
0x84: {  	v3 =	vor.u32 v3, v4  }
0x85: {  	v4 =	vperm.xlane v3, v0;
	_ =	sdelay $0x1  }
0x86: {  	v3 =	vperm.xlane v3, v2;
	v4 =	vadd.s32 v1, v4;
	_ =	sdelay $0x1  }
0x87: {  	v3 =	vadd.s32 v1, v3;
	_ =	sdelay $0x2  }
0x88: {  	[tilespmem:s23], [sflag:$0x2] =	stream.indirect_vreg.gather [hbm4b:s1+s3], $0x80, v4, vm0, $0xb8;
	[tilespmem:$0x18200] =	vst v63  }
0x89: {  	s26 =	rddreg [dreg:$0xa]  }
0x8a: {  	[tilespmem:s26], [sflag:$0x2] =	stream.indirect_vreg.gather [hbm4b:s1+s3], $0x80, v3, vm0, $0xb8;
	[tilespmem:$0x18200] =	vst v63  }
0x8b: {  	v3 =	vld [tilespmem:$0x90];
	_ =	sdelay $0x4  }
0x8c: {  	v41 =	vshll.u32 v3, $0x1  }
0x8d: {  	v3 =	vand.u32 $0x7, v3;
	v4 =	vand.u32 $0xFFFFFFF0, v41  }
0x8e: {  	v3 =	vor.u32 v3, v4  }
0x8f: {  	v4 =	vperm.xlane v3, v0;
	_ =	sdelay $0x1  }
0x90: {  	v3 =	vperm.xlane v3, v2;
	v4 =	vadd.s32 v1, v4;
	_ =	sdelay $0x1  }
0x91: {  	v3 =	vadd.s32 v1, v3;
	_ =	sdelay $0x1  }
0x92: {  	s25 =	rddreg [dreg:$0xb]  }
0x93: {  	[tilespmem:s25], [sflag:$0x2] =	stream.indirect_vreg.gather [hbm4b:s1+s3], $0x80, v4, vm0, $0xb8;
	[tilespmem:$0x18200] =	vst v63  }
0x94: {  	s26 =	rddreg [dreg:$0xc]  }
0x95: {  	[tilespmem:s26], [sflag:$0x2] =	stream.indirect_vreg.gather [hbm4b:s1+s3], $0x80, v3, vm0, $0xb8;
	[tilespmem:$0x18200] =	vst v63  }
0x96: {  	v3 =	vld [tilespmem:$0xA0];
	_ =	sdelay $0x4  }
0x97: {  	v42 =	vshll.u32 v3, $0x1  }
0x98: {  	v3 =	vand.u32 $0x7, v3;
	v4 =	vand.u32 $0xFFFFFFF0, v42  }
0x99: {  	v3 =	vor.u32 v3, v4  }
0x9a: {  	v4 =	vperm.xlane v3, v0;
	_ =	sdelay $0x1  }
0x9b: {  	v3 =	vperm.xlane v3, v2;
	v4 =	vadd.s32 v1, v4;
	_ =	sdelay $0x1  }
0x9c: {  	v3 =	vadd.s32 v1, v3;
	_ =	sdelay $0x1  }
0x9d: {  	s25 =	rddreg [dreg:$0xd]  }
0x9e: {  	[tilespmem:s25], [sflag:$0x2] =	stream.indirect_vreg.gather [hbm4b:s1+s3], $0x80, v4, vm0, $0xb8;
	[tilespmem:$0x18200] =	vst v63  }
0x9f: {  	s26 =	rddreg [dreg:$0xe]  }
0xa0: {  	[tilespmem:s26], [sflag:$0x2] =	stream.indirect_vreg.gather [hbm4b:s1+s3], $0x80, v3, vm0, $0xb8;
	[tilespmem:$0x18200] =	vst v63  }
0xa1: {  	v3 =	vld [tilespmem:$0xB0];
	_ =	sdelay $0x4  }
0xa2: {  	v43 =	vshll.u32 v3, $0x1  }
0xa3: {  	v3 =	vand.u32 $0x7, v3;
	v4 =	vand.u32 $0xFFFFFFF0, v43  }
0xa4: {  	v3 =	vor.u32 v3, v4  }
0xa5: {  	v4 =	vperm.xlane v3, v0;
	_ =	sdelay $0x1  }
0xa6: {  	v3 =	vperm.xlane v3, v2;
	v4 =	vadd.s32 v1, v4;
	_ =	sdelay $0x1  }
0xa7: {  	v3 =	vadd.s32 v1, v3;
	_ =	sdelay $0x1  }
0xa8: {  	s25 =	rddreg [dreg:$0xf]  }
0xa9: {  	[tilespmem:s25], [sflag:$0x2] =	stream.indirect_vreg.gather [hbm4b:s1+s3], $0x80, v4, vm0, $0xb8;
	[tilespmem:$0x18200] =	vst v63  }
0xaa: {  	s26 =	rddreg [dreg:$0x10]  }
0xab: {  	[tilespmem:s26], [sflag:$0x2] =	stream.indirect_vreg.gather [hbm4b:s1+s3], $0x80, v3, vm0, $0xb8;
	[tilespmem:$0x18200] =	vst v63  }
0xac: {  	v3 =	vld [tilespmem:$0xC0];
	_ =	sdelay $0x4  }
0xad: {  	v44 =	vshll.u32 v3, $0x1  }
0xae: {  	v3 =	vand.u32 $0x7, v3;
	v4 =	vand.u32 $0xFFFFFFF0, v44  }
0xaf: {  	v3 =	vor.u32 v3, v4  }
0xb0: {  	v4 =	vperm.xlane v3, v0;
	_ =	sdelay $0x1  }
0xb1: {  	v3 =	vperm.xlane v3, v2;
	v4 =	vadd.s32 v1, v4;
	_ =	sdelay $0x1  }
0xb2: {  	v3 =	vadd.s32 v1, v3;
	_ =	sdelay $0x1  }
0xb3: {  	s25 =	rddreg [dreg:$0x11]  }
0xb4: {  	[tilespmem:s25], [sflag:$0x2] =	stream.indirect_vreg.gather [hbm4b:s1+s3], $0x80, v4, vm0, $0xb8;
	[tilespmem:$0x18200] =	vst v63  }
0xb5: {  	s26 =	rddreg [dreg:$0x12]  }
0xb6: {  	[tilespmem:s26], [sflag:$0x2] =	stream.indirect_vreg.gather [hbm4b:s1+s3], $0x80, v3, vm0, $0xb8;
	[tilespmem:$0x18200] =	vst v63  }
0xb7: {  	v3 =	vld [tilespmem:$0xD0];
	_ =	sdelay $0x4  }
0xb8: {  	v45 =	vshll.u32 v3, $0x1  }
0xb9: {  	v3 =	vand.u32 $0x7, v3;
	v4 =	vand.u32 $0xFFFFFFF0, v45  }
0xba: {  	v3 =	vor.u32 v3, v4  }
0xbb: {  	v4 =	vperm.xlane v3, v0;
	_ =	sdelay $0x1  }
0xbc: {  	v3 =	vperm.xlane v3, v2;
	v4 =	vadd.s32 v1, v4;
	_ =	sdelay $0x1  }
0xbd: {  	v3 =	vadd.s32 v1, v3;
	_ =	sdelay $0x1  }
0xbe: {  	s25 =	rddreg [dreg:$0x13]  }
0xbf: {  	[tilespmem:s25], [sflag:$0x2] =	stream.indirect_vreg.gather [hbm4b:s1+s3], $0x80, v4, vm0, $0xb8;
	[tilespmem:$0x18200] =	vst v63  }
0xc0: {  	s26 =	rddreg [dreg:$0x14]  }
0xc1: {  	[tilespmem:s26], [sflag:$0x2] =	stream.indirect_vreg.gather [hbm4b:s1+s3], $0x80, v3, vm0, $0xb8;
	[tilespmem:$0x18200] =	vst v63  }
0xc2: {  	v3 =	vld [tilespmem:$0xE0];
	_ =	sdelay $0x4  }
0xc3: {  	v46 =	vshll.u32 v3, $0x1  }
0xc4: {  	v3 =	vand.u32 $0x7, v3;
	v4 =	vand.u32 $0xFFFFFFF0, v46  }
0xc5: {  	v3 =	vor.u32 v3, v4  }
0xc6: {  	v4 =	vperm.xlane v3, v0;
	_ =	sdelay $0x1  }
0xc7: {  	v3 =	vperm.xlane v3, v2;
	v4 =	vadd.s32 v1, v4;
	_ =	sdelay $0x1  }
0xc8: {  	v3 =	vadd.s32 v1, v3;
	_ =	sdelay $0x1  }
0xc9: {  	s25 =	rddreg [dreg:$0x15]  }
0xca: {  	[tilespmem:s25], [sflag:$0x2] =	stream.indirect_vreg.gather [hbm4b:s1+s3], $0x80, v4, vm0, $0xb8;
	[tilespmem:$0x18200] =	vst v63  }
0xcb: {  	s26 =	rddreg [dreg:$0x16]  }
0xcc: {  	[tilespmem:s26], [sflag:$0x2] =	stream.indirect_vreg.gather [hbm4b:s1+s3], $0x80, v3, vm0, $0xb8;
	[tilespmem:$0x18200] =	vst v63  }
0xcd: {  	v3 =	vld [tilespmem:$0xF0];
	_ =	sdelay $0x4  }
0xce: {  	v47 =	vshll.u32 v3, $0x1  }
0xcf: {  	v3 =	vand.u32 $0x7, v3;
	v4 =	vand.u32 $0xFFFFFFF0, v47  }
0xd0: {  	v3 =	vor.u32 v3, v4  }
0xd1: {  	v4 =	vperm.xlane v3, v0;
	_ =	sdelay $0x1  }
0xd2: {  	v3 =	vperm.xlane v3, v2;
	v4 =	vadd.s32 v1, v4;
	_ =	sdelay $0x1  }
0xd3: {  	v3 =	vadd.s32 v1, v3;
	_ =	sdelay $0x1  }
0xd4: {  	s25 =	rddreg [dreg:$0x17]  }
0xd5: {  	[tilespmem:s25], [sflag:$0x2] =	stream.indirect_vreg.gather [hbm4b:s1+s3], $0x80, v4, vm0, $0xb8;
	[tilespmem:$0x18200] =	vst v63  }
0xd6: {  	s26 =	rddreg [dreg:$0x18]  }
0xd7: {  	[tilespmem:s26], [sflag:$0x2] =	stream.indirect_vreg.gather [hbm4b:s1+s3], $0x80, v3, vm0, $0xb8;
	[tilespmem:$0x18200] =	vst v63  }
0xd8: {  	v3 =	vld [tilespmem:$0x100];
	_ =	sdelay $0x4  }
0xd9: {  	v48 =	vshll.u32 v3, $0x1  }
0xda: {  	v3 =	vand.u32 $0x7, v3;
	v4 =	vand.u32 $0xFFFFFFF0, v48  }
0xdb: {  	v3 =	vor.u32 v3, v4  }
0xdc: {  	v4 =	vperm.xlane v3, v0;
	_ =	sdelay $0x1  }
0xdd: {  	v3 =	vperm.xlane v3, v2;
	v4 =	vadd.s32 v1, v4;
	_ =	sdelay $0x1  }
0xde: {  	v3 =	vadd.s32 v1, v3;
	_ =	sdelay $0x2  }
0xdf: {  	[tilespmem:s24], [sflag:$0x2] =	stream.indirect_vreg.gather [hbm4b:s1+s3], $0x80, v4, vm0, $0xb8;
	[tilespmem:$0x18200] =	vst v63  }
0xe0: {  	s26 =	rddreg [dreg:$0x19]  }
0xe1: {  	[tilespmem:s26], [sflag:$0x2] =	stream.indirect_vreg.gather [hbm4b:s1+s3], $0x80, v3, vm0, $0xb8;
	[tilespmem:$0x18200] =	vst v63  }
0xe2: {  	v3 =	vld [tilespmem:$0x110];
	_ =	sdelay $0x4  }
0xe3: {  	v49 =	vshll.u32 v3, $0x1  }
0xe4: {  	v3 =	vand.u32 $0x7, v3;
	v4 =	vand.u32 $0xFFFFFFF0, v49  }
0xe5: {  	v3 =	vor.u32 v3, v4  }
0xe6: {  	v4 =	vperm.xlane v3, v0;
	_ =	sdelay $0x1  }
0xe7: {  	v3 =	vperm.xlane v3, v2;
	v4 =	vadd.s32 v1, v4;
	_ =	sdelay $0x1  }
0xe8: {  	v3 =	vadd.s32 v1, v3;
	_ =	sdelay $0x1  }
0xe9: {  	s25 =	rddreg [dreg:$0x1a]  }
0xea: {  	[tilespmem:s25], [sflag:$0x2] =	stream.indirect_vreg.gather [hbm4b:s1+s3], $0x80, v4, vm0, $0xb8;
	[tilespmem:$0x18200] =	vst v63  }
0xeb: {  	s26 =	rddreg [dreg:$0x1b]  }
0xec: {  	[tilespmem:s26], [sflag:$0x2] =	stream.indirect_vreg.gather [hbm4b:s1+s3], $0x80, v3, vm0, $0xb8;
	[tilespmem:$0x18200] =	vst v63  }
0xed: {  	v3 =	vld [tilespmem:$0x120];
	_ =	sdelay $0x4  }
0xee: {  	v50 =	vshll.u32 v3, $0x1  }
0xef: {  	v3 =	vand.u32 $0x7, v3;
	v4 =	vand.u32 $0xFFFFFFF0, v50  }
0xf0: {  	v3 =	vor.u32 v3, v4  }
0xf1: {  	v4 =	vperm.xlane v3, v0;
	_ =	sdelay $0x1  }
0xf2: {  	v3 =	vperm.xlane v3, v2;
	v4 =	vadd.s32 v1, v4;
	_ =	sdelay $0x1  }
0xf3: {  	v3 =	vadd.s32 v1, v3;
	_ =	sdelay $0x1  }
0xf4: {  	s25 =	rddreg [dreg:$0x1c]  }
0xf5: {  	[tilespmem:s25], [sflag:$0x2] =	stream.indirect_vreg.gather [hbm4b:s1+s3], $0x80, v4, vm0, $0xb8;
	[tilespmem:$0x18200] =	vst v63  }
0xf6: {  	s26 =	rddreg [dreg:$0x1d]  }
0xf7: {  	[tilespmem:s26], [sflag:$0x2] =	stream.indirect_vreg.gather [hbm4b:s1+s3], $0x80, v3, vm0, $0xb8;
	[tilespmem:$0x18200] =	vst v63  }
0xf8: {  	v3 =	vld [tilespmem:$0x130];
	_ =	sdelay $0x4  }
0xf9: {  	v51 =	vshll.u32 v3, $0x1  }
0xfa: {  	v3 =	vand.u32 $0x7, v3;
	v4 =	vand.u32 $0xFFFFFFF0, v51  }
0xfb: {  	v3 =	vor.u32 v3, v4  }
0xfc: {  	v4 =	vperm.xlane v3, v0;
	_ =	sdelay $0x1  }
0xfd: {  	v3 =	vperm.xlane v3, v2;
	v4 =	vadd.s32 v1, v4;
	_ =	sdelay $0x1  }
0xfe: {  	v3 =	vadd.s32 v1, v3;
	_ =	sdelay $0x1  }
0xff: {  	s25 =	rddreg [dreg:$0x1e]  }
0x100: {  	[tilespmem:s25], [sflag:$0x2] =	stream.indirect_vreg.gather [hbm4b:s1+s3], $0x80, v4, vm0, $0xb8;
	[tilespmem:$0x18200] =	vst v63  }
0x101: {  	s26 =	rddreg [dreg:$0x1f]  }
0x102: {  	[tilespmem:s26], [sflag:$0x2] =	stream.indirect_vreg.gather [hbm4b:s1+s3], $0x80, v3, vm0, $0xb8;
	[tilespmem:$0x18200] =	vst v63  }
0x103: {  	v3 =	vld [tilespmem:$0x140];
	_ =	sdelay $0x4  }
0x104: {  	v52 =	vshll.u32 v3, $0x1  }
0x105: {  	v3 =	vand.u32 $0x7, v3;
	v4 =	vand.u32 $0xFFFFFFF0, v52  }
0x106: {  	v3 =	vor.u32 v3, v4  }
0x107: {  	v4 =	vperm.xlane v3, v0;
	_ =	sdelay $0x1  }
0x108: {  	v3 =	vperm.xlane v3, v2;
	v4 =	vadd.s32 v1, v4;
	_ =	sdelay $0x1  }
0x109: {  	s25 =	sld [smem:$0x7FB];
	v3 =	vadd.s32 v1, v3;
	_ =	sdelay $0x1  }
0x10a: {  	s26 =	sld [smem:$0x7FC]  }
0x10b: {  	[tilespmem:s25], [sflag:$0x2] =	stream.indirect_vreg.gather [hbm4b:s1+s3], $0x80, v4, vm0, $0xb8;
	[tilespmem:$0x18200] =	vst v63  }
0x10c: {  	_ = 	snop  }
0x10d: {  	[tilespmem:s26], [sflag:$0x2] =	stream.indirect_vreg.gather [hbm4b:s1+s3], $0x80, v3, vm0, $0xb8;
	[tilespmem:$0x18200] =	vst v63  }
0x10e: {  	v3 =	vld [tilespmem:$0x150];
	_ =	sdelay $0x4  }
0x10f: {  	v53 =	vshll.u32 v3, $0x1  }
0x110: {  	v3 =	vand.u32 $0x7, v3;
	v4 =	vand.u32 $0xFFFFFFF0, v53  }
0x111: {  	v3 =	vor.u32 v3, v4  }
0x112: {  	v4 =	vperm.xlane v3, v0;
	_ =	sdelay $0x1  }
0x113: {  	v3 =	vperm.xlane v3, v2;
	v4 =	vadd.s32 v1, v4;
	_ =	sdelay $0x1  }
0x114: {  	s25 =	sld [smem:$0x7FD];
	v3 =	vadd.s32 v1, v3;
	_ =	sdelay $0x2  }
0x115: {  	[tilespmem:s25], [sflag:$0x2] =	stream.indirect_vreg.gather [hbm4b:s1+s3], $0x80, v4, vm0, $0xb8;
	[tilespmem:$0x18200] =	vst v63  }
0x116: {  	s26 =	simm.s32 $0x15A00  }
0x117: {  	[tilespmem:s26], [sflag:$0x2] =	stream.indirect_vreg.gather [hbm4b:s1+s3], $0x80, v3, vm0, $0xb8;
	[tilespmem:$0x18200] =	vst v63  }
0x118: {  	v3 =	vld [tilespmem:$0x160];
	_ =	sdelay $0x4  }
0x119: {  	v54 =	vshll.u32 v3, $0x1  }
0x11a: {  	v3 =	vand.u32 $0x7, v3;
	v4 =	vand.u32 $0xFFFFFFF0, v54  }
0x11b: {  	v3 =	vor.u32 v3, v4  }
0x11c: {  	v4 =	vperm.xlane v3, v0;
	_ =	sdelay $0x1  }
0x11d: {  	v3 =	vperm.xlane v3, v2;
	v4 =	vadd.s32 v1, v4;
	_ =	sdelay $0x1  }
0x11e: {  	v3 =	vadd.s32 v1, v3;
	_ =	sdelay $0x1  }
0x11f: {  	s25 =	simm.s32 $0x16200  }
0x120: {  	[tilespmem:s25], [sflag:$0x2] =	stream.indirect_vreg.gather [hbm4b:s1+s3], $0x80, v4, vm0, $0xb8;
	[tilespmem:$0x18200] =	vst v63  }
0x121: {  	_ = 	snop  }
0x122: {  	[tilespmem:s28], [sflag:$0x2] =	stream.indirect_vreg.gather [hbm4b:s1+s3], $0x80, v3, vm0, $0xb8;
	[tilespmem:$0x18200] =	vst v63  }
0x123: {  	v3 =	vld [tilespmem:$0x170];
	_ =	sdelay $0x4  }
0x124: {  	v55 =	vshll.u32 v3, $0x1  }
0x125: {  	v3 =	vand.u32 $0x7, v3;
	v4 =	vand.u32 $0xFFFFFFF0, v55  }
0x126: {  	v3 =	vor.u32 v3, v4  }
0x127: {  	v4 =	vperm.xlane v3, v0;
	_ =	sdelay $0x1  }
0x128: {  	v3 =	vperm.xlane v3, v2;
	v4 =	vadd.s32 v1, v4;
	_ =	sdelay $0x1  }
0x129: {  	v3 =	vadd.s32 v1, v3;
	_ =	sdelay $0x2  }
0x12a: {  	[tilespmem:s29], [sflag:$0x2] =	stream.indirect_vreg.gather [hbm4b:s1+s3], $0x80, v4, vm0, $0xb8;
	[tilespmem:$0x18200] =	vst v63  }
0x12b: {  	_ = 	snop  }
0x12c: {  	[tilespmem:s30], [sflag:$0x2] =	stream.indirect_vreg.gather [hbm4b:s1+s3], $0x80, v3, vm0, $0xb8;
	[tilespmem:$0x18200] =	vst v63  }
0x12d: {  	_ =	swait.ge [sflag:s31], $0x8000  }
0x12e: {  	[sflag:s31] =	ssyncset.done $0x0  }
0x12f: {  	[sflag:s31] =	ssyncadd.s32 $0xFFFF8000  }
0x130: {  	[hbm4b:s4+s3] =	stream.linear.scatter [tilespmem:s7], [sflag:$0x3], $0x8000, $0x38;
	[tilespmem:$0x18200] =	vst v63  }
0x131: {  	_ =	swait.ge [sflag:s2], $0x8000  }
0x132: {  	[sflag:s2] =	ssyncset.done $0x0  }
0x133: {  	[sflag:s2] =	ssyncadd.s32 $0xFFFF8000  }
0x134: {  	v3 =	vld [tilespmem:$0x180];
	_ =	sdelay $0x4  }
0x135: {  	v56 =	vshll.u32 v3, $0x1  }
0x136: {  	v3 =	vand.u32 $0x7, v3;
	v4 =	vand.u32 $0xFFFFFFF0, v56  }
0x137: {  	v3 =	vor.u32 v3, v4  }
0x138: {  	v4 =	vperm.xlane v3, v0;
	_ =	sdelay $0x1  }
0x139: {  	v3 =	vperm.xlane v3, v2;
	v4 =	vadd.s32 v1, v4;
	_ =	sdelay $0x1  }
0x13a: {  	v3 =	vadd.s32 v1, v3;
	_ =	sdelay $0x2  }
0x13b: {  	[tilespmem:s7], [sflag:$0x2] =	stream.indirect_vreg.gather [hbm4b:s1+s3], $0x80, v4, vm0, $0xb8;
	[tilespmem:$0x18200] =	vst v63  }
0x13c: {  	_ = 	snop  }
0x13d: {  	[tilespmem:s8], [sflag:$0x2] =	stream.indirect_vreg.gather [hbm4b:s1+s3], $0x80, v3, vm0, $0xb8;
	[tilespmem:$0x18200] =	vst v63  }
0x13e: {  	v3 =	vld [tilespmem:$0x190];
	_ =	sdelay $0x4  }
0x13f: {  	v57 =	vshll.u32 v3, $0x1  }
0x140: {  	v3 =	vand.u32 $0x7, v3;
	v4 =	vand.u32 $0xFFFFFFF0, v57  }
0x141: {  	v3 =	vor.u32 v3, v4  }
0x142: {  	v4 =	vperm.xlane v3, v0;
	_ =	sdelay $0x1  }
0x143: {  	v3 =	vperm.xlane v3, v2;
	v4 =	vadd.s32 v1, v4;
	_ =	sdelay $0x1  }
0x144: {  	v3 =	vadd.s32 v1, v3;
	_ =	sdelay $0x2  }
0x145: {  	[tilespmem:s9], [sflag:$0x2] =	stream.indirect_vreg.gather [hbm4b:s1+s3], $0x80, v4, vm0, $0xb8;
	[tilespmem:$0x18200] =	vst v63  }
0x146: {  	_ = 	snop  }
0x147: {  	[tilespmem:s10], [sflag:$0x2] =	stream.indirect_vreg.gather [hbm4b:s1+s3], $0x80, v3, vm0, $0xb8;
	[tilespmem:$0x18200] =	vst v63  }
0x148: {  	v3 =	vld [tilespmem:$0x1A0];
	_ =	sdelay $0x4  }
0x149: {  	v58 =	vshll.u32 v3, $0x1  }
0x14a: {  	v3 =	vand.u32 $0x7, v3;
	v4 =	vand.u32 $0xFFFFFFF0, v58  }
0x14b: {  	v3 =	vor.u32 v3, v4  }
0x14c: {  	v4 =	vperm.xlane v3, v0;
	_ =	sdelay $0x1  }
0x14d: {  	v3 =	vperm.xlane v3, v2;
	v4 =	vadd.s32 v1, v4;
	_ =	sdelay $0x1  }
0x14e: {  	v3 =	vadd.s32 v1, v3;
	_ =	sdelay $0x2  }
0x14f: {  	[tilespmem:s11], [sflag:$0x2] =	stream.indirect_vreg.gather [hbm4b:s1+s3], $0x80, v4, vm0, $0xb8;
	[tilespmem:$0x18200] =	vst v63  }
0x150: {  	_ = 	snop  }
0x151: {  	[tilespmem:s12], [sflag:$0x2] =	stream.indirect_vreg.gather [hbm4b:s1+s3], $0x80, v3, vm0, $0xb8;
	[tilespmem:$0x18200] =	vst v63  }
0x152: {  	v3 =	vld [tilespmem:$0x1B0];
	_ =	sdelay $0x4  }
0x153: {  	v59 =	vshll.u32 v3, $0x1  }
0x154: {  	v3 =	vand.u32 $0x7, v3;
	v4 =	vand.u32 $0xFFFFFFF0, v59  }
0x155: {  	v3 =	vor.u32 v3, v4  }
0x156: {  	v4 =	vperm.xlane v3, v0;
	_ =	sdelay $0x1  }
0x157: {  	v3 =	vperm.xlane v3, v2;
	v4 =	vadd.s32 v1, v4;
	_ =	sdelay $0x1  }
0x158: {  	v3 =	vadd.s32 v1, v3;
	_ =	sdelay $0x2  }
0x159: {  	[tilespmem:s13], [sflag:$0x2] =	stream.indirect_vreg.gather [hbm4b:s1+s3], $0x80, v4, vm0, $0xb8;
	[tilespmem:$0x18200] =	vst v63  }
0x15a: {  	_ = 	snop  }
0x15b: {  	[tilespmem:s14], [sflag:$0x2] =	stream.indirect_vreg.gather [hbm4b:s1+s3], $0x80, v3, vm0, $0xb8;
	[tilespmem:$0x18200] =	vst v63  }
0x15c: {  	v3 =	vld [tilespmem:$0x1C0];
	_ =	sdelay $0x4  }
0x15d: {  	v60 =	vshll.u32 v3, $0x1  }
0x15e: {  	v3 =	vand.u32 $0x7, v3;
	v4 =	vand.u32 $0xFFFFFFF0, v60  }
0x15f: {  	v3 =	vor.u32 v3, v4  }
0x160: {  	v4 =	vperm.xlane v3, v0;
	_ =	sdelay $0x1  }
0x161: {  	v3 =	vperm.xlane v3, v2;
	v4 =	vadd.s32 v1, v4;
	_ =	sdelay $0x1  }
0x162: {  	v3 =	vadd.s32 v1, v3;
	_ =	sdelay $0x2  }
0x163: {  	[tilespmem:s15], [sflag:$0x2] =	stream.indirect_vreg.gather [hbm4b:s1+s3], $0x80, v4, vm0, $0xb8;
	[tilespmem:$0x18200] =	vst v63  }
0x164: {  	_ = 	snop  }
0x165: {  	[tilespmem:s16], [sflag:$0x2] =	stream.indirect_vreg.gather [hbm4b:s1+s3], $0x80, v3, vm0, $0xb8;
	[tilespmem:$0x18200] =	vst v63  }
0x166: {  	v3 =	vld [tilespmem:$0x1D0];
	_ =	sdelay $0x4  }
0x167: {  	v61 =	vshll.u32 v3, $0x1  }
0x168: {  	v3 =	vand.u32 $0x7, v3;
	v4 =	vand.u32 $0xFFFFFFF0, v61  }
0x169: {  	v3 =	vor.u32 v3, v4  }
0x16a: {  	v4 =	vperm.xlane v3, v0;
	_ =	sdelay $0x1  }
0x16b: {  	v3 =	vperm.xlane v3, v2;
	v4 =	vadd.s32 v1, v4;
	_ =	sdelay $0x1  }
0x16c: {  	v3 =	vadd.s32 v1, v3;
	_ =	sdelay $0x2  }
0x16d: {  	[tilespmem:s17], [sflag:$0x2] =	stream.indirect_vreg.gather [hbm4b:s1+s3], $0x80, v4, vm0, $0xb8;
	[tilespmem:$0x18200] =	vst v63  }
0x16e: {  	_ = 	snop  }
0x16f: {  	[tilespmem:s18], [sflag:$0x2] =	stream.indirect_vreg.gather [hbm4b:s1+s3], $0x80, v3, vm0, $0xb8;
	[tilespmem:$0x18200] =	vst v63  }
0x170: {  	v3 =	vld [tilespmem:$0x1E0];
	_ =	sdelay $0x4  }
0x171: {  	v62 =	vshll.u32 v3, $0x1  }
0x172: {  	v3 =	vand.u32 $0x7, v3;
	v4 =	vand.u32 $0xFFFFFFF0, v62  }
0x173: {  	v3 =	vor.u32 v3, v4  }
0x174: {  	v4 =	vperm.xlane v3, v0;
	_ =	sdelay $0x1  }
0x175: {  	v3 =	vperm.xlane v3, v2;
	v4 =	vadd.s32 v1, v4;
	_ =	sdelay $0x1  }
0x176: {  	v3 =	vadd.s32 v1, v3;
	_ =	sdelay $0x2  }
0x177: {  	[tilespmem:s19], [sflag:$0x2] =	stream.indirect_vreg.gather [hbm4b:s1+s3], $0x80, v4, vm0, $0xb8;
	[tilespmem:$0x18200] =	vst v63  }
0x178: {  	_ = 	snop  }
0x179: {  	[tilespmem:s20], [sflag:$0x2] =	stream.indirect_vreg.gather [hbm4b:s1+s3], $0x80, v3, vm0, $0xb8;
	[tilespmem:$0x18200] =	vst v63  }
0x17a: {  	v3 =	vld [tilespmem:$0x1F0];
	_ =	sdelay $0x4  }
0x17b: {  	v63 =	vshll.u32 v3, $0x1  }
0x17c: {  	v3 =	vand.u32 $0x7, v3;
	v4 =	vand.u32 $0xFFFFFFF0, v63  }
0x17d: {  	v3 =	vor.u32 v3, v4  }
0x17e: {  	v4 =	vperm.xlane v3, v0;
	_ =	sdelay $0x1  }
0x17f: {  	v3 =	vperm.xlane v3, v2;
	v4 =	vadd.s32 v1, v4;
	_ =	sdelay $0x1  }
0x180: {  	v3 =	vadd.s32 v1, v3;
	_ =	sdelay $0x2  }
0x181: {  	[tilespmem:s21], [sflag:$0x2] =	stream.indirect_vreg.gather [hbm4b:s1+s3], $0x80, v4, vm0, $0xb8;
	[tilespmem:$0x18200] =	vst v63  }
0x182: {  	_ = 	snop  }
0x183: {  	[tilespmem:s22], [sflag:$0x2] =	stream.indirect_vreg.gather [hbm4b:s1+s3], $0x80, v3, vm0, $0xb8;
	[tilespmem:$0x18200] =	vst v63  }
0x184: {  	_ =	swait.ge [sflag:s31], $0x8000  }
0x185: {  	[sflag:s31] =	ssyncset.done $0x0  }
0x186: {  	s26 =	rddreg [dreg:$0x6];
	[sflag:s31] =	ssyncadd.s32 $0xFFFF8000  }
0x187: {  	[hbm4b:s26+s3] =	stream.linear.scatter [tilespmem:s23], [sflag:$0x3], $0x8000, $0x38;
	[tilespmem:$0x18200] =	vst v63  }
0x188: {  	_ =	swait.ge [sflag:s31], $0x8000  }
0x189: {  	[sflag:s31] =	ssyncset.done $0x0  }
0x18a: {  	s25 =	rddreg [dreg:$0x7];
	[sflag:s31] =	ssyncadd.s32 $0xFFFF8000  }
0x18b: {  	[hbm4b:s25+s3] =	stream.linear.scatter [tilespmem:s24], [sflag:$0x3], $0x8000, $0x38;
	[tilespmem:$0x18200] =	vst v63  }
0x18c: {  	_ =	swait.ge [sflag:s31], $0x8000  }
0x18d: {  	[sflag:s31] =	ssyncset.done $0x0  }
0x18e: {  	s26 =	rddreg [dreg:$0x8];
	[sflag:s31] =	ssyncadd.s32 $0xFFFF8000  }
0x18f: {  	[hbm4b:s26+s3] =	stream.linear.scatter [tilespmem:s7], [sflag:$0x3], $0x8000, $0x38;
	[tilespmem:$0x18200] =	vst v63  }
0x190: {  	_ =	swait.ge [sflag:s2], $0x8000  }
0x191: {  	[sflag:s2] =	ssyncset.done $0x0  }
0x192: {  	[sflag:s2] =	ssyncadd.s32 $0xFFFF8000  }
0x193: {  	p0 =	sne.s32 s5, $0x1;
	_ =	swait.ge [sflag:s2], $0x8000  }
.Ltmp0:
0x194: {  	[sflag:s2] =	ssyncset.done $0x0;
	(pc) =	sbr.rel @p0 .LBB2_1-.Ltmp0, $4  }
0x195: {  	[sflag:s2] =	ssyncadd.s32 $0xFFFF8000  }
0x196: {  	_ =	swait.ge [sflag:s2], $0x8000  }
0x197: {  	[sflag:s2] =	ssyncset.done $0x0  }
0x198: {  	s5 =	sadd.s32 $0xFFFFFFFF, s5;
	[sflag:s2] =	ssyncadd.s32 $0xFFFF8000  }
0x199: {  	_ =	sfence.sel $0x180000  }
0x19a: {  	[bflag:$0x0] =	sbarrier.arrive $0xFFFF  }
0x19b: {  	_ =	strace $0x90000047  }
0x19c: {  	s0 =	stileid.u32;
	[bflag:$0x2] =	sbarrier.arrive $0xFFFF  }
0x19d: {  	p0 =	sne.s32 s0, $0x0;
	s0 =	rddreg [dreg:$0x3]  }
0x19e: {  	s0 =	sadd.s32 @!p0 $0x100000, s0  }
0x19f: {  	[sflag:s0] =	ssyncadd.tile.s32 @!p0 $0x1;
	_ =	shalt  }
.Lfunc_end2:
_tile_overlayer_lowered:
.L_overlay_start_2:
0x1a0: {  	(tag) =	ssettag $0x2  }
0x1a1: {  	s0 =	rddreg [dreg:$0x0];
	s2 =	stileid.u32  }
0x1a2: {  	s1 =	rddreg [dreg:$0x1];
	p0 =	sne.s32 s2, $0x0  }
0x1a3: {  	s3 =	rddreg [dreg:$0x2];
	[bflag:$0x3] =	sbarrier.arrive $0xFFFF;
	s2 =	simm.s32 @!p0 $0x1C04  }
0x1a4: {  	[timem:s3], [sflag:s2] =	dma.local @!p0 [hbm:s0], s1  }
0x1a5: {  	s0 =	simm.s32 @!p0 $0x4  }
0x1a6: {  	_ =	swait.ge @!p0 [sflag:s0], s1  }
0x1a7: {  	s1 =	ssub.s32 @!p0 $0x0, s1;
	[sflag:s0] =	ssyncset.done @!p0 $0x0  }
0x1a8: {  	[sflag:s0] =	ssyncadd.s32 @!p0 s1  }
0x1a9: {  	[bflag:$0x3] =	sbarrier.arrive $0xFFFF  }
0x1aa: {  	_ =	shalt  }

</sc_bundles>
